<compile_context>
chip_gen: v7x
topology: tpu7x:2x2x1
jax: 0.10.2.dev20260603
libtpu: 0.0.44.dev20260713+nightly
codegen_flags: <defaults>
</compile_context>

<pallas_src>
import functools

import jax
import jax.numpy as jnp
from jax import lax
from jax.experimental import pallas as pl
from jax.experimental.pallas import tpu as pltpu
from jax.experimental.pallas import tpu_sc as plsc

_W = 32
_BLK_PATCH = 16
_MAX_PASSES = 64


def _roll(x, shift, axis):
    n = x.shape[axis]
    shift = shift % n
    if shift == 0:
        return x
    a = lax.slice_in_dim(x, n - shift, n, axis=axis)
    b = lax.slice_in_dim(x, 0, n - shift, axis=axis)
    return lax.concatenate([a, b], dimension=axis)


def _seg_min_scan(v, c, axis, sign):
    d = 1
    while d < _W:
        vs = _roll(v, sign * d, axis)
        cs = _roll(c, sign * d, axis)
        v = jnp.where(c != 0, jnp.minimum(v, vs), v)
        c = c & cs
        d *= 2
    return v


def _ccl_kernel(x_ref, out_ref):
    x = x_ref[...]
    mask = x != 0.0
    rows, cols = x.shape
    l = lax.broadcasted_iota(jnp.int32, (rows, cols), 1)
    r = lax.broadcasted_iota(jnp.int32, (rows, cols), 0)
    col = l & (_W - 1)
    lbl0 = jnp.where(mask, r * _W + col + 1, 0)

    mi = mask.astype(jnp.int32)
    mh_f = mi & _roll(mi, 1, 1) & (col != 0).astype(jnp.int32)
    mh_b = mi & _roll(mi, -1, 1) & (col != _W - 1).astype(jnp.int32)
    mv_f = mi & _roll(mi, 1, 0) & (r != 0).astype(jnp.int32)
    mv_b = mi & _roll(mi, -1, 0) & (r != rows - 1).astype(jnp.int32)

    def one_pass(v):
        v = _seg_min_scan(v, mh_f, 1, 1)
        v = _seg_min_scan(v, mh_b, 1, -1)
        v = _seg_min_scan(v, mv_f, 0, 1)
        v = _seg_min_scan(v, mv_b, 0, -1)
        return v

    def cond(st):
        i, changed, _ = st
        return changed & (i < _MAX_PASSES)

    def body(st):
        i, _, v = st
        nv = one_pass(v)
        return (i + 1, jnp.any(nv != v), nv)

    _, _, lbl = lax.while_loop(cond, body, (jnp.int32(0), True, lbl0))
    out_ref[...] = lbl


def _run_ccl(xt, interpret=False):
    n = xt.shape[1] // (_BLK_PATCH * _W)
    return pl.pallas_call(
        _ccl_kernel,
        grid=(n,),
        in_specs=[pl.BlockSpec((_W, _BLK_PATCH * _W), lambda i: (0, i))],
        out_specs=pl.BlockSpec((_W, _BLK_PATCH * _W), lambda i: (0, i)),
        out_shape=jax.ShapeDtypeStruct(xt.shape, jnp.int32),
        interpret=interpret,
    )(xt)


def _make_count(n_groups):
    mesh = plsc.VectorSubcoreMesh(core_axis_name="c", subcore_axis_name="s")
    n_tiles = 32
    rounds = (n_groups + n_tiles - 1) // n_tiles

    @functools.partial(
        pl.kernel,
        out_type=jax.ShapeDtypeStruct((n_groups, 16), jnp.float32),
        mesh=mesh,
        compiler_params=pltpu.CompilerParams(needs_layout_passes=False),
        scratch_types=[
            pltpu.VMEM((_W, _W * _W), jnp.int32),
            pltpu.VMEM((1040,), jnp.int32),
            pltpu.VMEM((16,), jnp.float32),
        ],
    )
    def count_kernel(lbl_hbm, out_hbm, lblv, cnt, outv):
        wid = lax.axis_index("s") * 2 + lax.axis_index("c")
        zero16 = jnp.zeros((16,), jnp.int32)
        ones16 = jnp.ones((16,), jnp.int32)

        for gi in range(rounds):
            g = wid + n_tiles * gi

            @pl.when(g < n_groups)
            def _():
                pltpu.sync_copy(lbl_hbm.at[:, pl.ds(g * _W * _W, _W * _W)],
                                lblv)

                def patch_body(pp, gsum):
                    def zbody(k, carry):
                        cnt[pl.ds(k * 16, 16)] = zero16
                        return carry
                    lax.fori_loop(0, 65, zbody, 0)

                    def sbody(j, carry):
                        rr = j >> 1
                        hh = j & 1
                        vec = lblv[rr, pl.ds(pp * _W + hh * 16, 16)]
                        plsc.addupdate_scatter(cnt, [vec], ones16)
                        return carry
                    lax.fori_loop(0, 2 * _W, sbody, 0)

                    def mbody(k, mx):
                        return jnp.maximum(mx, cnt[pl.ds(k * 16, 16)])
                    mxv = lax.fori_loop(0, 65, mbody, zero16)
                    return gsum + jnp.max(mxv)

                gsum = lax.fori_loop(0, _W, patch_body, jnp.int32(0))
                res = (gsum >> 5).astype(jnp.float32)
                outv[...] = jnp.zeros((16,), jnp.float32) + res
                pltpu.sync_copy(outv, out_hbm.at[g])

    return count_kernel


def kernel(inputs):
    n_cd, n_box, batch, n_patch, h, w = inputs.shape
    x = inputs.reshape(-1, h, w)
    xt = x.transpose(1, 0, 2).reshape(h, -1)
    lbl = _run_ccl(xt)
    n_groups = x.shape[0] // n_patch
    out = _make_count(n_groups)(lbl)
    return out[:, 0].reshape(n_cd, n_box, batch)

# --- scband reference (transcript-rebuilt; emitter-appended) ---
"""Pipeline reference for scband-percolation-m-31885837205969 (READ-ONLY COPY).

The authoritative reference and input builder live on the scoring server;
editing this copy changes nothing except your own understanding.
"""

import jax, jax.numpy as jnp
import numpy as np


def _connected_components(masks):
    # masks: [P, H, W] bool. Returns int32 labels; 0 = background, positive labels
    # globally unique across patches (patches never interact, so per-patch counting
    # is identical to per-image tfa.image.connected_components labels).
    P, H, W = masks.shape
    init = jnp.where(masks, jnp.arange(1, P * H * W + 1, dtype=jnp.int32).reshape(P, H, W), 0)
    n_iters = 2 * (H + W)

    def step(lbl, _):
        n1 = jnp.pad(lbl[:, 1:, :], ((0, 0), (0, 1), (0, 0)))
        n2 = jnp.pad(lbl[:, :-1, :], ((0, 0), (1, 0), (0, 0)))
        n3 = jnp.pad(lbl[:, :, 1:], ((0, 0), (0, 0), (0, 1)))
        n4 = jnp.pad(lbl[:, :, :-1], ((0, 0), (0, 0), (1, 0)))
        new = lbl
        for n in (n1, n2, n3, n4):
            new = jnp.where(masks & (n > 0), jnp.minimum(new, n), new)
        return new, None

    lbl, _ = jax.lax.scan(step, init, None, length=n_iters)
    return lbl


def _percolation_forward(inputs):
    # inputs: [n_cd, n_boxes, B, P, H, W]; nonzero pixels are foreground
    n_cd, n_box, B, Pt, H, W = inputs.shape
    masks = (inputs != 0).reshape(-1, H, W)
    lbl = _connected_components(masks)
    P = masks.shape[0]
    flat = lbl.reshape(P, H * W)
    offs = (jnp.arange(P, dtype=jnp.int32) * (H * W))[:, None]
    local = jnp.where(flat > 0, flat - offs, 0)  # per-patch labels in [0, H*W]

    def most_common(l):
        # tf.unique_with_counts + reduce_max(counts) == max of histogram of labels
        return jnp.bincount(l, length=H * W + 1).max()

    counts = jax.vmap(most_common)(local)
    per_patch = counts.reshape(n_cd, n_box, B, Pt)
    # tf.reduce_mean on int32 performs integer (floor) mean, cast to float32 after
    mean_int = jnp.sum(per_patch, axis=3) // Pt
    return mean_int.astype(jnp.float32)


def setup_inputs(seed: int = 0) -> dict:
    key = jax.random.key(seed)
    inputs = jax.random.randint(key, (2, 3, 8, 32, 32, 32), 0, 2).astype(jnp.float32)
    return {"inputs": inputs}


def reference(inputs):
    # returns [n_cd, n_boxes, batch] float32, matching the nested list-of-lists of
    # per-batch percolation values produced by the original layer
    return _percolation_forward(inputs)

if __name__ == "__main__":
    import jax
    _d = setup_inputs()
    print(jax.jit(kernel)(*tuple(_d.values())))

</pallas_src>

<mosaic_0001>
#map = affine_map<(d0, d1) -> (0, 0)>
module attributes {stable_mosaic.version = 14 : i64} {
  func.func @count_kernel(%arg0: i32, %arg1: i32, %arg2: memref<32x49152xi32, #tpu.memory_space<hbm>>, %arg3: memref<48x16xf32, #tpu.memory_space<hbm>>, %arg4: memref<32x1024xi32, #tpu.memory_space<vmem>>, %arg5: memref<1040xi32, #tpu.memory_space<vmem>>, %arg6: memref<16xf32, #tpu.memory_space<vmem>>) attributes {dimension_semantics = [#tpu.dimension_semantics<core_parallel>, #tpu.dimension_semantics<subcore_parallel>], iteration_bounds = array<i64: 2, 16>, scalar_prefetch = 0 : i64, scratch_operands = 3 : i64, tpu.core_type = #tpu.core_type<sc_vector_subcore>, window_params = [{transform_indices = #map}, {transform_indices = #map}]} {
    %mul3A = arith.constant 2 : i32
    %mul3A_0 = arith.muli %arg1, %mul3A : i32
    %add3A = arith.addi %mul3A_0, %arg0 : i32
    %broadcast_in_dim3A = arith.constant 0 : i32
    %broadcast_in_dim3A_1 = vector.broadcast %broadcast_in_dim3A : i32 to vector<16xi32>
    %broadcast_in_dim3A_2 = arith.constant 1 : i32
    %broadcast_in_dim3A_3 = vector.broadcast %broadcast_in_dim3A_2 : i32 to vector<16xi32>
    %add3A_4 = arith.constant 0 : i32
    %add3A_5 = arith.addi %add3A, %add3A_4 : i32
    %lt3A = arith.constant 48 : i32
    %lt3A_6 = arith.cmpi slt, %add3A_5, %lt3A : i32
    %convert_element_type3A = arith.extui %lt3A_6 : i1 to i32
    %cond3A = arith.constant 0 : i32
    %cond3A_7 = arith.cmpi ne, %convert_element_type3A, %cond3A : i32
    scf.if %cond3A_7 {
      %mul3A_15 = arith.constant 32 : i32
      %mul3A_16 = arith.muli %add3A_5, %mul3A_15 : i32
      %mul3A_17 = arith.constant 32 : i32
      %mul3A_18 = arith.muli %mul3A_16, %mul3A_17 : i32
      "tpu.region"() ({
        %run_scoped3A = tpu.sem_alloc : memref<!tpu.dma_semaphore, #tpu.memory_space<semaphore_mem>>
        %dma_start3A = arith.constant 0 : i32
        %dma_start3A_32 = tpu.memref_slice %arg2[%dma_start3A, %mul3A_18] : memref<32x49152xi32, #tpu.memory_space<hbm>> -> memref<32x1024xi32, #tpu.memory_space<hbm>>
        %dma_start3A_33 = arith.constant 0 : i32
        %dma_start3A_34 = tpu.memref_slice %arg2[%dma_start3A_33, %mul3A_18] : memref<32x49152xi32, #tpu.memory_space<hbm>> -> memref<32x1024xi32, #tpu.memory_space<hbm>>
        tpu.enqueue_dma source(%dma_start3A_34 : memref<32x1024xi32, #tpu.memory_space<hbm>>) target(%arg4 : memref<32x1024xi32, #tpu.memory_space<vmem>>) target_semaphore(%run_scoped3A : memref<!tpu.dma_semaphore, #tpu.memory_space<semaphore_mem>>)
        %dma_wait3A = arith.constant 0 : i32
        %dma_wait3A_35 = tpu.memref_slice %arg2[%dma_wait3A, %mul3A_18] : memref<32x49152xi32, #tpu.memory_space<hbm>> -> memref<32x1024xi32, #tpu.memory_space<hbm>>
        %dma_wait3A_36 = arith.constant 0 : i32
        %dma_wait3A_37 = tpu.memref_slice %arg2[%dma_wait3A_36, %mul3A_18] : memref<32x49152xi32, #tpu.memory_space<hbm>> -> memref<32x1024xi32, #tpu.memory_space<hbm>>
        tpu.wait_dma2 semaphore(%run_scoped3A : memref<!tpu.dma_semaphore, #tpu.memory_space<semaphore_mem>>) src(%dma_wait3A_37 : memref<32x1024xi32, #tpu.memory_space<hbm>>) dst(%arg4 : memref<32x1024xi32, #tpu.memory_space<vmem>>)
        tpu.yield
      }) : () -> ()
      %scan3A = arith.constant 0 : i32
      %scan3A_19 = arith.constant 0 : i32
      %scan3A_20 = arith.constant 32 : i32
      %scan3A_21 = arith.addi %scan3A_19, %scan3A_20 : i32
      %scan3A_22 = arith.constant 1 : i32
      %scan3A_23 = scf.for %scan3A_32 = %scan3A_19 to %scan3A_21 step %scan3A_22 iter_args(%scan3A_33 = %scan3A) -> (i32)  : i32 {
        %scan3A_34 = arith.constant 0 : i32
        %scan3A_35 = arith.constant 0 : i32
        %scan3A_36 = arith.constant 65 : i32
        %scan3A_37 = arith.addi %scan3A_35, %scan3A_36 : i32
        %scan3A_38 = arith.constant 1 : i32
        scf.for %scan3A_60 = %scan3A_35 to %scan3A_37 step %scan3A_38  : i32 {
          %mul3A_61 = arith.constant 16 : i32
          %mul3A_62 = arith.muli %scan3A_60, %mul3A_61 : i32
          %swap3A_63 = arith.index_cast %mul3A_62 : i32 to index
          %swap3A_64 = tpu.vector_load %arg5[%swap3A_63] {strides = array<i32>} : memref<1040xi32, #tpu.memory_space<vmem>>, vector<16xi32>,
          tpu.vector_store %arg5[%swap3A_63], %broadcast_in_dim3A_1 {strides = array<i32>} : memref<1040xi32, #tpu.memory_space<vmem>>, vector<16xi32>,
        }
        %scan3A_39 = arith.constant 65 : i32
        %scan3A_40 = arith.constant 0 : i32
        %scan3A_41 = arith.constant 0 : i32
        %scan3A_42 = arith.constant 64 : i32
        %scan3A_43 = arith.addi %scan3A_41, %scan3A_42 : i32
        %scan3A_44 = arith.constant 1 : i32
        scf.for %scan3A_60 = %scan3A_41 to %scan3A_43 step %scan3A_44  : i32 {
          %shift_right_arithmetic3A_61 = arith.constant 1 : i32
          %shift_right_arithmetic3A_62 = arith.shrsi %scan3A_60, %shift_right_arithmetic3A_61 : i32
          %and3A = arith.constant 1 : i32
          %and3A_63 = arith.andi %scan3A_60, %and3A : i32
          %mul3A_64 = arith.constant 32 : i32
          %mul3A_65 = arith.muli %scan3A_32, %mul3A_64 : i32
          %mul3A_66 = arith.constant 16 : i32
          %mul3A_67 = arith.muli %and3A_63, %mul3A_66 : i32
          %add3A_68 = arith.addi %mul3A_65, %mul3A_67 : i32
          %get3A = arith.index_cast %shift_right_arithmetic3A_62 : i32 to index
          %get3A_69 = arith.index_cast %add3A_68 : i32 to index
          %get3A_70 = tpu.vector_load %arg4[%get3A, %get3A_69] {strides = array<i32>} : memref<32x1024xi32, #tpu.memory_space<vmem>>, vector<16xi32>,
          tpu.vector_store_idx %arg5[%get3A_70], %broadcast_in_dim3A_3 {add = true} : memref<1040xi32, #tpu.memory_space<vmem>>[vector<16xi32>], vector<16xi32>,
        }
        %scan3A_45 = arith.constant 64 : i32
        %scan3A_46 = arith.constant 0 : i32
        %scan3A_47 = arith.constant 65 : i32
        %scan3A_48 = arith.addi %scan3A_46, %scan3A_47 : i32
        %scan3A_49 = arith.constant 1 : i32
        %scan3A_50 = scf.for %scan3A_60 = %scan3A_46 to %scan3A_48 step %scan3A_49 iter_args(%scan3A_61 = %broadcast_in_dim3A_1) -> (vector<16xi32>)  : i32 {
          %mul3A_62 = arith.constant 16 : i32
          %mul3A_63 = arith.muli %scan3A_60, %mul3A_62 : i32
          %get3A = arith.index_cast %mul3A_63 : i32 to index
          %get3A_64 = tpu.vector_load %arg5[%get3A] {strides = array<i32>} : memref<1040xi32, #tpu.memory_space<vmem>>, vector<16xi32>,
          %max3A = arith.maxsi %scan3A_61, %get3A_64 : vector<16xi32>
          scf.yield %max3A : vector<16xi32>
        }
        %scan3A_51 = arith.constant 65 : i32
        %reduce_max3A = arith.constant true
        %reduce_max3A_52 = vector.broadcast %reduce_max3A : i1 to vector<16xi1>
        %reduce_max3A_53 = arith.constant -2147483648 : i32
        %reduce_max3A_54 = vector.broadcast %reduce_max3A_53 : i32 to vector<16xi32>
        %reduce_max3A_55 = arith.xori %scan3A_50, %reduce_max3A_54 : vector<16xi32>
        %reduce_max3A_56 = tpu.scan <max>, %reduce_max3A_55 masked %reduce_max3A_52 : vector<16xi32>, vector<16xi1> -> vector<16xi32>
        %reduce_max3A_57 = arith.xori %reduce_max3A_56, %reduce_max3A_54 : vector<16xi32>
        %reduce_max3A_58 = vector.extract %reduce_max3A_57[15] : i32 from vector<16xi32>
        %add3A_59 = arith.addi %scan3A_33, %reduce_max3A_58 : i32
        scf.yield %add3A_59 : i32
      }
      %scan3A_24 = arith.constant 32 : i32
      %shift_right_arithmetic3A = arith.constant 5 : i32
      %shift_right_arithmetic3A_25 = arith.shrsi %scan3A_23, %shift_right_arithmetic3A : i32
      %convert_element_type3A_26 = arith.sitofp %shift_right_arithmetic3A_25 : i32 to f32
      %broadcast_in_dim3A_27 = arith.constant 0.000000e+00 : f32
      %broadcast_in_dim3A_28 = vector.broadcast %broadcast_in_dim3A_27 : f32 to vector<16xf32>
      %add3A_29 = vector.broadcast %convert_element_type3A_26 : f32 to vector<16xf32>
      %add3A_30 = arith.addf %broadcast_in_dim3A_28, %add3A_29 : vector<16xf32>
      %swap3A = arith.constant 0 : index
      %swap3A_31 = tpu.vector_load %arg6[%swap3A] {strides = array<i32>} : memref<16xf32, #tpu.memory_space<vmem>>, vector<16xf32>,
      tpu.vector_store %arg6[%swap3A], %add3A_30 {strides = array<i32>} : memref<16xf32, #tpu.memory_space<vmem>>, vector<16xf32>,
      "tpu.region"() ({
        %run_scoped3A = tpu.sem_alloc : memref<!tpu.dma_semaphore, #tpu.memory_space<semaphore_mem>>
        %dma_start3A = arith.constant 0 : i32
        %dma_start3A_32 = tpu.memref_slice %arg3[%add3A_5, %dma_start3A] : memref<48x16xf32, #tpu.memory_space<hbm>> -> memref<1x16xf32, #tpu.memory_space<hbm>>
        %dma_start3A_33 = tpu.memref_squeeze %dma_start3A_32 : memref<1x16xf32, #tpu.memory_space<hbm>> -> memref<16xf32, #tpu.memory_space<hbm>>
        %dma_start3A_34 = arith.constant 0 : i32
        %dma_start3A_35 = tpu.memref_slice %arg3[%add3A_5, %dma_start3A_34] : memref<48x16xf32, #tpu.memory_space<hbm>> -> memref<1x16xf32, #tpu.memory_space<hbm>>
        %dma_start3A_36 = tpu.memref_squeeze %dma_start3A_35 : memref<1x16xf32, #tpu.memory_space<hbm>> -> memref<16xf32, #tpu.memory_space<hbm>>
        tpu.enqueue_dma source(%arg6 : memref<16xf32, #tpu.memory_space<vmem>>) target(%dma_start3A_36 : memref<16xf32, #tpu.memory_space<hbm>>) target_semaphore(%run_scoped3A : memref<!tpu.dma_semaphore, #tpu.memory_space<semaphore_mem>>)
        %dma_wait3A = arith.constant 0 : i32
        %dma_wait3A_37 = tpu.memref_slice %arg3[%add3A_5, %dma_wait3A] : memref<48x16xf32, #tpu.memory_space<hbm>> -> memref<1x16xf32, #tpu.memory_space<hbm>>
        %dma_wait3A_38 = tpu.memref_squeeze %dma_wait3A_37 : memref<1x16xf32, #tpu.memory_space<hbm>> -> memref<16xf32, #tpu.memory_space<hbm>>
        %dma_wait3A_39 = arith.constant 0 : i32
        %dma_wait3A_40 = tpu.memref_slice %arg3[%add3A_5, %dma_wait3A_39] : memref<48x16xf32, #tpu.memory_space<hbm>> -> memref<1x16xf32, #tpu.memory_space<hbm>>
        %dma_wait3A_41 = tpu.memref_squeeze %dma_wait3A_40 : memref<1x16xf32, #tpu.memory_space<hbm>> -> memref<16xf32, #tpu.memory_space<hbm>>
        tpu.wait_dma2 semaphore(%run_scoped3A : memref<!tpu.dma_semaphore, #tpu.memory_space<semaphore_mem>>) src(%arg6 : memref<16xf32, #tpu.memory_space<vmem>>) dst(%dma_wait3A_41 : memref<16xf32, #tpu.memory_space<hbm>>)
        tpu.yield
      }) : () -> ()
    } else {
    }
    %add3A_8 = arith.constant 32 : i32
    %add3A_9 = arith.addi %add3A, %add3A_8 : i32
    %lt3A_10 = arith.constant 48 : i32
    %lt3A_11 = arith.cmpi slt, %add3A_9, %lt3A_10 : i32
    %convert_element_type3A_12 = arith.extui %lt3A_11 : i1 to i32
    %cond3A_13 = arith.constant 0 : i32
    %cond3A_14 = arith.cmpi ne, %convert_element_type3A_12, %cond3A_13 : i32
    scf.if %cond3A_14 {
      %mul3A_15 = arith.constant 32 : i32
      %mul3A_16 = arith.muli %add3A_9, %mul3A_15 : i32
      %mul3A_17 = arith.constant 32 : i32
      %mul3A_18 = arith.muli %mul3A_16, %mul3A_17 : i32
      "tpu.region"() ({
        %run_scoped3A = tpu.sem_alloc : memref<!tpu.dma_semaphore, #tpu.memory_space<semaphore_mem>>
        %dma_start3A = arith.constant 0 : i32
        %dma_start3A_32 = tpu.memref_slice %arg2[%dma_start3A, %mul3A_18] : memref<32x49152xi32, #tpu.memory_space<hbm>> -> memref<32x1024xi32, #tpu.memory_space<hbm>>
        %dma_start3A_33 = arith.constant 0 : i32
        %dma_start3A_34 = tpu.memref_slice %arg2[%dma_start3A_33, %mul3A_18] : memref<32x49152xi32, #tpu.memory_space<hbm>> -> memref<32x1024xi32, #tpu.memory_space<hbm>>
        tpu.enqueue_dma source(%dma_start3A_34 : memref<32x1024xi32, #tpu.memory_space<hbm>>) target(%arg4 : memref<32x1024xi32, #tpu.memory_space<vmem>>) target_semaphore(%run_scoped3A : memref<!tpu.dma_semaphore, #tpu.memory_space<semaphore_mem>>)
        %dma_wait3A = arith.constant 0 : i32
        %dma_wait3A_35 = tpu.memref_slice %arg2[%dma_wait3A, %mul3A_18] : memref<32x49152xi32, #tpu.memory_space<hbm>> -> memref<32x1024xi32, #tpu.memory_space<hbm>>
        %dma_wait3A_36 = arith.constant 0 : i32
        %dma_wait3A_37 = tpu.memref_slice %arg2[%dma_wait3A_36, %mul3A_18] : memref<32x49152xi32, #tpu.memory_space<hbm>> -> memref<32x1024xi32, #tpu.memory_space<hbm>>
        tpu.wait_dma2 semaphore(%run_scoped3A : memref<!tpu.dma_semaphore, #tpu.memory_space<semaphore_mem>>) src(%dma_wait3A_37 : memref<32x1024xi32, #tpu.memory_space<hbm>>) dst(%arg4 : memref<32x1024xi32, #tpu.memory_space<vmem>>)
        tpu.yield
      }) : () -> ()
      %scan3A = arith.constant 0 : i32
      %scan3A_19 = arith.constant 0 : i32
      %scan3A_20 = arith.constant 32 : i32
      %scan3A_21 = arith.addi %scan3A_19, %scan3A_20 : i32
      %scan3A_22 = arith.constant 1 : i32
      %scan3A_23 = scf.for %scan3A_32 = %scan3A_19 to %scan3A_21 step %scan3A_22 iter_args(%scan3A_33 = %scan3A) -> (i32)  : i32 {
        %scan3A_34 = arith.constant 0 : i32
        %scan3A_35 = arith.constant 0 : i32
        %scan3A_36 = arith.constant 65 : i32
        %scan3A_37 = arith.addi %scan3A_35, %scan3A_36 : i32
        %scan3A_38 = arith.constant 1 : i32
        scf.for %scan3A_60 = %scan3A_35 to %scan3A_37 step %scan3A_38  : i32 {
          %mul3A_61 = arith.constant 16 : i32
          %mul3A_62 = arith.muli %scan3A_60, %mul3A_61 : i32
          %swap3A_63 = arith.index_cast %mul3A_62 : i32 to index
          %swap3A_64 = tpu.vector_load %arg5[%swap3A_63] {strides = array<i32>} : memref<1040xi32, #tpu.memory_space<vmem>>, vector<16xi32>,
          tpu.vector_store %arg5[%swap3A_63], %broadcast_in_dim3A_1 {strides = array<i32>} : memref<1040xi32, #tpu.memory_space<vmem>>, vector<16xi32>,
        }
        %scan3A_39 = arith.constant 65 : i32
        %scan3A_40 = arith.constant 0 : i32
        %scan3A_41 = arith.constant 0 : i32
        %scan3A_42 = arith.constant 64 : i32
        %scan3A_43 = arith.addi %scan3A_41, %scan3A_42 : i32
        %scan3A_44 = arith.constant 1 : i32
        scf.for %scan3A_60 = %scan3A_41 to %scan3A_43 step %scan3A_44  : i32 {
          %shift_right_arithmetic3A_61 = arith.constant 1 : i32
          %shift_right_arithmetic3A_62 = arith.shrsi %scan3A_60, %shift_right_arithmetic3A_61 : i32
          %and3A = arith.constant 1 : i32
          %and3A_63 = arith.andi %scan3A_60, %and3A : i32
          %mul3A_64 = arith.constant 32 : i32
          %mul3A_65 = arith.muli %scan3A_32, %mul3A_64 : i32
          %mul3A_66 = arith.constant 16 : i32
          %mul3A_67 = arith.muli %and3A_63, %mul3A_66 : i32
          %add3A_68 = arith.addi %mul3A_65, %mul3A_67 : i32
          %get3A = arith.index_cast %shift_right_arithmetic3A_62 : i32 to index
          %get3A_69 = arith.index_cast %add3A_68 : i32 to index
          %get3A_70 = tpu.vector_load %arg4[%get3A, %get3A_69] {strides = array<i32>} : memref<32x1024xi32, #tpu.memory_space<vmem>>, vector<16xi32>,
          tpu.vector_store_idx %arg5[%get3A_70], %broadcast_in_dim3A_3 {add = true} : memref<1040xi32, #tpu.memory_space<vmem>>[vector<16xi32>], vector<16xi32>,
        }
        %scan3A_45 = arith.constant 64 : i32
        %scan3A_46 = arith.constant 0 : i32
        %scan3A_47 = arith.constant 65 : i32
        %scan3A_48 = arith.addi %scan3A_46, %scan3A_47 : i32
        %scan3A_49 = arith.constant 1 : i32
        %scan3A_50 = scf.for %scan3A_60 = %scan3A_46 to %scan3A_48 step %scan3A_49 iter_args(%scan3A_61 = %broadcast_in_dim3A_1) -> (vector<16xi32>)  : i32 {
          %mul3A_62 = arith.constant 16 : i32
          %mul3A_63 = arith.muli %scan3A_60, %mul3A_62 : i32
          %get3A = arith.index_cast %mul3A_63 : i32 to index
          %get3A_64 = tpu.vector_load %arg5[%get3A] {strides = array<i32>} : memref<1040xi32, #tpu.memory_space<vmem>>, vector<16xi32>,
          %max3A = arith.maxsi %scan3A_61, %get3A_64 : vector<16xi32>
          scf.yield %max3A : vector<16xi32>
        }
        %scan3A_51 = arith.constant 65 : i32
        %reduce_max3A = arith.constant true
        %reduce_max3A_52 = vector.broadcast %reduce_max3A : i1 to vector<16xi1>
        %reduce_max3A_53 = arith.constant -2147483648 : i32
        %reduce_max3A_54 = vector.broadcast %reduce_max3A_53 : i32 to vector<16xi32>
        %reduce_max3A_55 = arith.xori %scan3A_50, %reduce_max3A_54 : vector<16xi32>
        %reduce_max3A_56 = tpu.scan <max>, %reduce_max3A_55 masked %reduce_max3A_52 : vector<16xi32>, vector<16xi1> -> vector<16xi32>
        %reduce_max3A_57 = arith.xori %reduce_max3A_56, %reduce_max3A_54 : vector<16xi32>
        %reduce_max3A_58 = vector.extract %reduce_max3A_57[15] : i32 from vector<16xi32>
        %add3A_59 = arith.addi %scan3A_33, %reduce_max3A_58 : i32
        scf.yield %add3A_59 : i32
      }
      %scan3A_24 = arith.constant 32 : i32
      %shift_right_arithmetic3A = arith.constant 5 : i32
      %shift_right_arithmetic3A_25 = arith.shrsi %scan3A_23, %shift_right_arithmetic3A : i32
      %convert_element_type3A_26 = arith.sitofp %shift_right_arithmetic3A_25 : i32 to f32
      %broadcast_in_dim3A_27 = arith.constant 0.000000e+00 : f32
      %broadcast_in_dim3A_28 = vector.broadcast %broadcast_in_dim3A_27 : f32 to vector<16xf32>
      %add3A_29 = vector.broadcast %convert_element_type3A_26 : f32 to vector<16xf32>
      %add3A_30 = arith.addf %broadcast_in_dim3A_28, %add3A_29 : vector<16xf32>
      %swap3A = arith.constant 0 : index
      %swap3A_31 = tpu.vector_load %arg6[%swap3A] {strides = array<i32>} : memref<16xf32, #tpu.memory_space<vmem>>, vector<16xf32>,
      tpu.vector_store %arg6[%swap3A], %add3A_30 {strides = array<i32>} : memref<16xf32, #tpu.memory_space<vmem>>, vector<16xf32>,
      "tpu.region"() ({
        %run_scoped3A = tpu.sem_alloc : memref<!tpu.dma_semaphore, #tpu.memory_space<semaphore_mem>>
        %dma_start3A = arith.constant 0 : i32
        %dma_start3A_32 = tpu.memref_slice %arg3[%add3A_9, %dma_start3A] : memref<48x16xf32, #tpu.memory_space<hbm>> -> memref<1x16xf32, #tpu.memory_space<hbm>>
        %dma_start3A_33 = tpu.memref_squeeze %dma_start3A_32 : memref<1x16xf32, #tpu.memory_space<hbm>> -> memref<16xf32, #tpu.memory_space<hbm>>
        %dma_start3A_34 = arith.constant 0 : i32
        %dma_start3A_35 = tpu.memref_slice %arg3[%add3A_9, %dma_start3A_34] : memref<48x16xf32, #tpu.memory_space<hbm>> -> memref<1x16xf32, #tpu.memory_space<hbm>>
        %dma_start3A_36 = tpu.memref_squeeze %dma_start3A_35 : memref<1x16xf32, #tpu.memory_space<hbm>> -> memref<16xf32, #tpu.memory_space<hbm>>
        tpu.enqueue_dma source(%arg6 : memref<16xf32, #tpu.memory_space<vmem>>) target(%dma_start3A_36 : memref<16xf32, #tpu.memory_space<hbm>>) target_semaphore(%run_scoped3A : memref<!tpu.dma_semaphore, #tpu.memory_space<semaphore_mem>>)
        %dma_wait3A = arith.constant 0 : i32
        %dma_wait3A_37 = tpu.memref_slice %arg3[%add3A_9, %dma_wait3A] : memref<48x16xf32, #tpu.memory_space<hbm>> -> memref<1x16xf32, #tpu.memory_space<hbm>>
        %dma_wait3A_38 = tpu.memref_squeeze %dma_wait3A_37 : memref<1x16xf32, #tpu.memory_space<hbm>> -> memref<16xf32, #tpu.memory_space<hbm>>
        %dma_wait3A_39 = arith.constant 0 : i32
        %dma_wait3A_40 = tpu.memref_slice %arg3[%add3A_9, %dma_wait3A_39] : memref<48x16xf32, #tpu.memory_space<hbm>> -> memref<1x16xf32, #tpu.memory_space<hbm>>
        %dma_wait3A_41 = tpu.memref_squeeze %dma_wait3A_40 : memref<1x16xf32, #tpu.memory_space<hbm>> -> memref<16xf32, #tpu.memory_space<hbm>>
        tpu.wait_dma2 semaphore(%run_scoped3A : memref<!tpu.dma_semaphore, #tpu.memory_space<semaphore_mem>>) src(%arg6 : memref<16xf32, #tpu.memory_space<vmem>>) dst(%dma_wait3A_41 : memref<16xf32, #tpu.memory_space<hbm>>)
        tpu.yield
      }) : () -> ()
    } else {
    }
    return
  }
}

module attributes {stable_mosaic.version = 14 : i64} {
  func.func @_ccl_kernel(%arg0: i32, %arg1: memref<32x512xf32, #tpu.memory_space<vmem>>, %arg2: memref<32x512xi32, #tpu.memory_space<vmem>>) attributes {dimension_semantics = [#tpu.dimension_semantics<arbitrary>], iteration_bounds = array<i64: 96>, scalar_prefetch = 0 : i64, scratch_operands = 0 : i64, tpu.core_type = #tpu.core_type<tc>, window_params = [{transform_indices = @transform_0, window_bounds = array<i64: 32, 512>}, {transform_indices = @transform_1, window_bounds = array<i64: 32, 512>}]} {
    %get3A = arith.constant 0 : index
    %get3A_0 = arith.constant 0 : index
    %get3A_1 = vector.load %arg1[%get3A, %get3A_0] : memref<32x512xf32, #tpu.memory_space<vmem>>, vector<32x512xf32>
    %ne3A = arith.constant 0.000000e+00 : f32
    %ne3A_2 = vector.broadcast %ne3A : f32 to vector<32x512xf32>
    %ne3A_3 = arith.cmpf one, %get3A_1, %ne3A_2 : vector<32x512xf32>
    %iota3A = tpu.iota {dimensions = array<i32: 1>} : vector<32x512xi32>
    %iota3A_4 = tpu.iota {dimensions = array<i32: 0>} : vector<32x512xi32>
    %and3A = arith.constant 31 : i32
    %and3A_5 = vector.broadcast %and3A : i32 to vector<32x512xi32>
    %and3A_6 = arith.andi %iota3A, %and3A_5 : vector<32x512xi32>
    %mul3A = arith.constant 32 : i32
    %mul3A_7 = vector.broadcast %mul3A : i32 to vector<32x512xi32>
    %mul3A_8 = arith.muli %iota3A_4, %mul3A_7 : vector<32x512xi32>
    %add3A = arith.addi %mul3A_8, %and3A_6 : vector<32x512xi32>
    %add3A_9 = arith.constant 1 : i32
    %add3A_10 = vector.broadcast %add3A_9 : i32 to vector<32x512xi32>
    %add3A_11 = arith.addi %add3A, %add3A_10 : vector<32x512xi32>
    %jit3A = arith.constant 0 : i32
    %broadcast_in_dim3A = vector.broadcast %jit3A : i32 to vector<32x512xi32>
    %select_n3A = arith.select %ne3A_3, %add3A_11, %broadcast_in_dim3A : vector<32x512xi1>, vector<32x512xi32>
    %convert_element_type3A = arith.extui %ne3A_3 : vector<32x512xi1> to vector<32x512xi32>
    %slice3A = vector.extract_strided_slice %convert_element_type3A {offsets = [0, 511], sizes = [32, 1], strides = [1, 1]} : vector<32x512xi32> to vector<32x1xi32>
    %slice3A_12 = vector.extract_strided_slice %convert_element_type3A {offsets = [0, 0], sizes = [32, 511], strides = [1, 1]} : vector<32x512xi32> to vector<32x511xi32>
    %concatenate3A = tpu.concatenate %slice3A, %slice3A_12 in 1 : vector<32x1xi32>, vector<32x511xi32> -> vector<32x512xi32>
    %and3A_13 = arith.andi %convert_element_type3A, %concatenate3A : vector<32x512xi32>
    %ne3A_14 = arith.constant 0 : i32
    %ne3A_15 = vector.broadcast %ne3A_14 : i32 to vector<32x512xi32>
    %ne3A_16 = arith.cmpi ne, %and3A_6, %ne3A_15 : vector<32x512xi32>
    %convert_element_type3A_17 = arith.extui %ne3A_16 : vector<32x512xi1> to vector<32x512xi32>
    %and3A_18 = arith.andi %and3A_13, %convert_element_type3A_17 : vector<32x512xi32>
    %slice3A_19 = vector.extract_strided_slice %convert_element_type3A {offsets = [0, 1], sizes = [32, 511], strides = [1, 1]} : vector<32x512xi32> to vector<32x511xi32>
    %slice3A_20 = vector.extract_strided_slice %convert_element_type3A {offsets = [0, 0], sizes = [32, 1], strides = [1, 1]} : vector<32x512xi32> to vector<32x1xi32>
    %concatenate3A_21 = tpu.concatenate %slice3A_19, %slice3A_20 in 1 : vector<32x511xi32>, vector<32x1xi32> -> vector<32x512xi32>
    %and3A_22 = arith.andi %convert_element_type3A, %concatenate3A_21 : vector<32x512xi32>
    %ne3A_23 = arith.constant 31 : i32
    %ne3A_24 = vector.broadcast %ne3A_23 : i32 to vector<32x512xi32>
    %ne3A_25 = arith.cmpi ne, %and3A_6, %ne3A_24 : vector<32x512xi32>
    %convert_element_type3A_26 = arith.extui %ne3A_25 : vector<32x512xi1> to vector<32x512xi32>
    %and3A_27 = arith.andi %and3A_22, %convert_element_type3A_26 : vector<32x512xi32>
    %slice3A_28 = vector.extract_strided_slice %convert_element_type3A {offsets = [31, 0], sizes = [1, 512], strides = [1, 1]} : vector<32x512xi32> to vector<1x512xi32>
    %slice3A_29 = vector.extract_strided_slice %convert_element_type3A {offsets = [0, 0], sizes = [31, 512], strides = [1, 1]} : vector<32x512xi32> to vector<31x512xi32>
    %concatenate3A_30 = tpu.concatenate %slice3A_28, %slice3A_29 in 0 : vector<1x512xi32>, vector<31x512xi32> -> vector<32x512xi32>
    %and3A_31 = arith.andi %convert_element_type3A, %concatenate3A_30 : vector<32x512xi32>
    %ne3A_32 = arith.constant 0 : i32
    %ne3A_33 = vector.broadcast %ne3A_32 : i32 to vector<32x512xi32>
    %ne3A_34 = arith.cmpi ne, %iota3A_4, %ne3A_33 : vector<32x512xi32>
    %convert_element_type3A_35 = arith.extui %ne3A_34 : vector<32x512xi1> to vector<32x512xi32>
    %and3A_36 = arith.andi %and3A_31, %convert_element_type3A_35 : vector<32x512xi32>
    %slice3A_37 = vector.extract_strided_slice %convert_element_type3A {offsets = [1, 0], sizes = [31, 512], strides = [1, 1]} : vector<32x512xi32> to vector<31x512xi32>
    %slice3A_38 = vector.extract_strided_slice %convert_element_type3A {offsets = [0, 0], sizes = [1, 512], strides = [1, 1]} : vector<32x512xi32> to vector<1x512xi32>
    %concatenate3A_39 = tpu.concatenate %slice3A_37, %slice3A_38 in 0 : vector<31x512xi32>, vector<1x512xi32> -> vector<32x512xi32>
    %and3A_40 = arith.andi %convert_element_type3A, %concatenate3A_39 : vector<32x512xi32>
    %ne3A_41 = arith.constant 31 : i32
    %ne3A_42 = vector.broadcast %ne3A_41 : i32 to vector<32x512xi32>
    %ne3A_43 = arith.cmpi ne, %iota3A_4, %ne3A_42 : vector<32x512xi32>
    %convert_element_type3A_44 = arith.extui %ne3A_43 : vector<32x512xi1> to vector<32x512xi32>
    %and3A_45 = arith.andi %and3A_40, %convert_element_type3A_44 : vector<32x512xi32>
    %while3A = arith.constant 0 : i32
    %while3A_46 = arith.constant true
    %while3A_47:3 = scf.while (%while3A_50 = %while3A, %while3A_51 = %while3A_46, %while3A_52 = %select_n3A) : (i32, i1, vector<32x512xi32>) -> (i32, i1, vector<32x512xi32>) {
      %lt3A = arith.constant 64 : i32
      %lt3A_53 = arith.cmpi slt, %while3A_50, %lt3A : i32
      %and3A_54 = arith.andi %while3A_51, %lt3A_53 : i1
      scf.condition(%and3A_54) %while3A_50, %while3A_51, %while3A_52 : i32, i1, vector<32x512xi32>
    } do {
    ^bb0(%while3A_50: i32, %while3A_51: i1, %while3A_52: vector<32x512xi32>):
      %slice3A_53 = vector.extract_strided_slice %while3A_52 {offsets = [0, 511], sizes = [32, 1], strides = [1, 1]} : vector<32x512xi32> to vector<32x1xi32>
      %slice3A_54 = vector.extract_strided_slice %while3A_52 {offsets = [0, 0], sizes = [32, 511], strides = [1, 1]} : vector<32x512xi32> to vector<32x511xi32>
      %concatenate3A_55 = tpu.concatenate %slice3A_53, %slice3A_54 in 1 : vector<32x1xi32>, vector<32x511xi32> -> vector<32x512xi32>
      %slice3A_56 = vector.extract_strided_slice %and3A_18 {offsets = [0, 511], sizes = [32, 1], strides = [1, 1]} : vector<32x512xi32> to vector<32x1xi32>
      %slice3A_57 = vector.extract_strided_slice %and3A_18 {offsets = [0, 0], sizes = [32, 511], strides = [1, 1]} : vector<32x512xi32> to vector<32x511xi32>
      %concatenate3A_58 = tpu.concatenate %slice3A_56, %slice3A_57 in 1 : vector<32x1xi32>, vector<32x511xi32> -> vector<32x512xi32>
      %ne3A_59 = arith.constant 0 : i32
      %ne3A_60 = vector.broadcast %ne3A_59 : i32 to vector<32x512xi32>
      %ne3A_61 = arith.cmpi ne, %and3A_18, %ne3A_60 : vector<32x512xi32>
      %min3A = arith.minsi %while3A_52, %concatenate3A_55 : vector<32x512xi32>
      %select_n3A_62 = arith.select %ne3A_61, %min3A, %while3A_52 : vector<32x512xi1>, vector<32x512xi32>
      %and3A_63 = arith.andi %and3A_18, %concatenate3A_58 : vector<32x512xi32>
      %slice3A_64 = vector.extract_strided_slice %select_n3A_62 {offsets = [0, 510], sizes = [32, 2], strides = [1, 1]} : vector<32x512xi32> to vector<32x2xi32>
      %slice3A_65 = vector.extract_strided_slice %select_n3A_62 {offsets = [0, 0], sizes = [32, 510], strides = [1, 1]} : vector<32x512xi32> to vector<32x510xi32>
      %concatenate3A_66 = tpu.concatenate %slice3A_64, %slice3A_65 in 1 : vector<32x2xi32>, vector<32x510xi32> -> vector<32x512xi32>
      %slice3A_67 = vector.extract_strided_slice %and3A_63 {offsets = [0, 510], sizes = [32, 2], strides = [1, 1]} : vector<32x512xi32> to vector<32x2xi32>
      %slice3A_68 = vector.extract_strided_slice %and3A_63 {offsets = [0, 0], sizes = [32, 510], strides = [1, 1]} : vector<32x512xi32> to vector<32x510xi32>
      %concatenate3A_69 = tpu.concatenate %slice3A_67, %slice3A_68 in 1 : vector<32x2xi32>, vector<32x510xi32> -> vector<32x512xi32>
      %ne3A_70 = arith.constant 0 : i32
      %ne3A_71 = vector.broadcast %ne3A_70 : i32 to vector<32x512xi32>
      %ne3A_72 = arith.cmpi ne, %and3A_63, %ne3A_71 : vector<32x512xi32>
      %min3A_73 = arith.minsi %select_n3A_62, %concatenate3A_66 : vector<32x512xi32>
      %select_n3A_74 = arith.select %ne3A_72, %min3A_73, %select_n3A_62 : vector<32x512xi1>, vector<32x512xi32>
      %and3A_75 = arith.andi %and3A_63, %concatenate3A_69 : vector<32x512xi32>
      %slice3A_76 = vector.extract_strided_slice %select_n3A_74 {offsets = [0, 508], sizes = [32, 4], strides = [1, 1]} : vector<32x512xi32> to vector<32x4xi32>
      %slice3A_77 = vector.extract_strided_slice %select_n3A_74 {offsets = [0, 0], sizes = [32, 508], strides = [1, 1]} : vector<32x512xi32> to vector<32x508xi32>
      %concatenate3A_78 = tpu.concatenate %slice3A_76, %slice3A_77 in 1 : vector<32x4xi32>, vector<32x508xi32> -> vector<32x512xi32>
      %slice3A_79 = vector.extract_strided_slice %and3A_75 {offsets = [0, 508], sizes = [32, 4], strides = [1, 1]} : vector<32x512xi32> to vector<32x4xi32>
      %slice3A_80 = vector.extract_strided_slice %and3A_75 {offsets = [0, 0], sizes = [32, 508], strides = [1, 1]} : vector<32x512xi32> to vector<32x508xi32>
      %concatenate3A_81 = tpu.concatenate %slice3A_79, %slice3A_80 in 1 : vector<32x4xi32>, vector<32x508xi32> -> vector<32x512xi32>
      %ne3A_82 = arith.constant 0 : i32
      %ne3A_83 = vector.broadcast %ne3A_82 : i32 to vector<32x512xi32>
      %ne3A_84 = arith.cmpi ne, %and3A_75, %ne3A_83 : vector<32x512xi32>
      %min3A_85 = arith.minsi %select_n3A_74, %concatenate3A_78 : vector<32x512xi32>
      %select_n3A_86 = arith.select %ne3A_84, %min3A_85, %select_n3A_74 : vector<32x512xi1>, vector<32x512xi32>
      %and3A_87 = arith.andi %and3A_75, %concatenate3A_81 : vector<32x512xi32>
      %slice3A_88 = vector.extract_strided_slice %select_n3A_86 {offsets = [0, 504], sizes = [32, 8], strides = [1, 1]} : vector<32x512xi32> to vector<32x8xi32>
      %slice3A_89 = vector.extract_strided_slice %select_n3A_86 {offsets = [0, 0], sizes = [32, 504], strides = [1, 1]} : vector<32x512xi32> to vector<32x504xi32>
      %concatenate3A_90 = tpu.concatenate %slice3A_88, %slice3A_89 in 1 : vector<32x8xi32>, vector<32x504xi32> -> vector<32x512xi32>
      %slice3A_91 = vector.extract_strided_slice %and3A_87 {offsets = [0, 504], sizes = [32, 8], strides = [1, 1]} : vector<32x512xi32> to vector<32x8xi32>
      %slice3A_92 = vector.extract_strided_slice %and3A_87 {offsets = [0, 0], sizes = [32, 504], strides = [1, 1]} : vector<32x512xi32> to vector<32x504xi32>
      %concatenate3A_93 = tpu.concatenate %slice3A_91, %slice3A_92 in 1 : vector<32x8xi32>, vector<32x504xi32> -> vector<32x512xi32>
      %ne3A_94 = arith.constant 0 : i32
      %ne3A_95 = vector.broadcast %ne3A_94 : i32 to vector<32x512xi32>
      %ne3A_96 = arith.cmpi ne, %and3A_87, %ne3A_95 : vector<32x512xi32>
      %min3A_97 = arith.minsi %select_n3A_86, %concatenate3A_90 : vector<32x512xi32>
      %select_n3A_98 = arith.select %ne3A_96, %min3A_97, %select_n3A_86 : vector<32x512xi1>, vector<32x512xi32>
      %and3A_99 = arith.andi %and3A_87, %concatenate3A_93 : vector<32x512xi32>
      %slice3A_100 = vector.extract_strided_slice %select_n3A_98 {offsets = [0, 496], sizes = [32, 16], strides = [1, 1]} : vector<32x512xi32> to vector<32x16xi32>
      %slice3A_101 = vector.extract_strided_slice %select_n3A_98 {offsets = [0, 0], sizes = [32, 496], strides = [1, 1]} : vector<32x512xi32> to vector<32x496xi32>
      %concatenate3A_102 = tpu.concatenate %slice3A_100, %slice3A_101 in 1 : vector<32x16xi32>, vector<32x496xi32> -> vector<32x512xi32>
      %slice3A_103 = vector.extract_strided_slice %and3A_99 {offsets = [0, 496], sizes = [32, 16], strides = [1, 1]} : vector<32x512xi32> to vector<32x16xi32>
      %slice3A_104 = vector.extract_strided_slice %and3A_99 {offsets = [0, 0], sizes = [32, 496], strides = [1, 1]} : vector<32x512xi32> to vector<32x496xi32>
      %concatenate3A_105 = tpu.concatenate %slice3A_103, %slice3A_104 in 1 : vector<32x16xi32>, vector<32x496xi32> -> vector<32x512xi32>
      %ne3A_106 = arith.constant 0 : i32
      %ne3A_107 = vector.broadcast %ne3A_106 : i32 to vector<32x512xi32>
      %ne3A_108 = arith.cmpi ne, %and3A_99, %ne3A_107 : vector<32x512xi32>
      %min3A_109 = arith.minsi %select_n3A_98, %concatenate3A_102 : vector<32x512xi32>
      %select_n3A_110 = arith.select %ne3A_108, %min3A_109, %select_n3A_98 : vector<32x512xi1>, vector<32x512xi32>
      %and3A_111 = arith.andi %and3A_99, %concatenate3A_105 : vector<32x512xi32>
      %slice3A_112 = vector.extract_strided_slice %select_n3A_110 {offsets = [0, 1], sizes = [32, 511], strides = [1, 1]} : vector<32x512xi32> to vector<32x511xi32>
      %slice3A_113 = vector.extract_strided_slice %select_n3A_110 {offsets = [0, 0], sizes = [32, 1], strides = [1, 1]} : vector<32x512xi32> to vector<32x1xi32>
      %concatenate3A_114 = tpu.concatenate %slice3A_112, %slice3A_113 in 1 : vector<32x511xi32>, vector<32x1xi32> -> vector<32x512xi32>
      %slice3A_115 = vector.extract_strided_slice %and3A_27 {offsets = [0, 1], sizes = [32, 511], strides = [1, 1]} : vector<32x512xi32> to vector<32x511xi32>
      %slice3A_116 = vector.extract_strided_slice %and3A_27 {offsets = [0, 0], sizes = [32, 1], strides = [1, 1]} : vector<32x512xi32> to vector<32x1xi32>
      %concatenate3A_117 = tpu.concatenate %slice3A_115, %slice3A_116 in 1 : vector<32x511xi32>, vector<32x1xi32> -> vector<32x512xi32>
      %ne3A_118 = arith.constant 0 : i32
      %ne3A_119 = vector.broadcast %ne3A_118 : i32 to vector<32x512xi32>
      %ne3A_120 = arith.cmpi ne, %and3A_27, %ne3A_119 : vector<32x512xi32>
      %min3A_121 = arith.minsi %select_n3A_110, %concatenate3A_114 : vector<32x512xi32>
      %select_n3A_122 = arith.select %ne3A_120, %min3A_121, %select_n3A_110 : vector<32x512xi1>, vector<32x512xi32>
      %and3A_123 = arith.andi %and3A_27, %concatenate3A_117 : vector<32x512xi32>
      %slice3A_124 = vector.extract_strided_slice %select_n3A_122 {offsets = [0, 2], sizes = [32, 510], strides = [1, 1]} : vector<32x512xi32> to vector<32x510xi32>
      %slice3A_125 = vector.extract_strided_slice %select_n3A_122 {offsets = [0, 0], sizes = [32, 2], strides = [1, 1]} : vector<32x512xi32> to vector<32x2xi32>
      %concatenate3A_126 = tpu.concatenate %slice3A_124, %slice3A_125 in 1 : vector<32x510xi32>, vector<32x2xi32> -> vector<32x512xi32>
      %slice3A_127 = vector.extract_strided_slice %and3A_123 {offsets = [0, 2], sizes = [32, 510], strides = [1, 1]} : vector<32x512xi32> to vector<32x510xi32>
      %slice3A_128 = vector.extract_strided_slice %and3A_123 {offsets = [0, 0], sizes = [32, 2], strides = [1, 1]} : vector<32x512xi32> to vector<32x2xi32>
      %concatenate3A_129 = tpu.concatenate %slice3A_127, %slice3A_128 in 1 : vector<32x510xi32>, vector<32x2xi32> -> vector<32x512xi32>
      %ne3A_130 = arith.constant 0 : i32
      %ne3A_131 = vector.broadcast %ne3A_130 : i32 to vector<32x512xi32>
      %ne3A_132 = arith.cmpi ne, %and3A_123, %ne3A_131 : vector<32x512xi32>
      %min3A_133 = arith.minsi %select_n3A_122, %concatenate3A_126 : vector<32x512xi32>
      %select_n3A_134 = arith.select %ne3A_132, %min3A_133, %select_n3A_122 : vector<32x512xi1>, vector<32x512xi32>
      %and3A_135 = arith.andi %and3A_123, %concatenate3A_129 : vector<32x512xi32>
      %slice3A_136 = vector.extract_strided_slice %select_n3A_134 {offsets = [0, 4], sizes = [32, 508], strides = [1, 1]} : vector<32x512xi32> to vector<32x508xi32>
      %slice3A_137 = vector.extract_strided_slice %select_n3A_134 {offsets = [0, 0], sizes = [32, 4], strides = [1, 1]} : vector<32x512xi32> to vector<32x4xi32>
      %concatenate3A_138 = tpu.concatenate %slice3A_136, %slice3A_137 in 1 : vector<32x508xi32>, vector<32x4xi32> -> vector<32x512xi32>
      %slice3A_139 = vector.extract_strided_slice %and3A_135 {offsets = [0, 4], sizes = [32, 508], strides = [1, 1]} : vector<32x512xi32> to vector<32x508xi32>
      %slice3A_140 = vector.extract_strided_slice %and3A_135 {offsets = [0, 0], sizes = [32, 4], strides = [1, 1]} : vector<32x512xi32> to vector<32x4xi32>
      %concatenate3A_141 = tpu.concatenate %slice3A_139, %slice3A_140 in 1 : vector<32x508xi32>, vector<32x4xi32> -> vector<32x512xi32>
      %ne3A_142 = arith.constant 0 : i32
      %ne3A_143 = vector.broadcast %ne3A_142 : i32 to vector<32x512xi32>
      %ne3A_144 = arith.cmpi ne, %and3A_135, %ne3A_143 : vector<32x512xi32>
      %min3A_145 = arith.minsi %select_n3A_134, %concatenate3A_138 : vector<32x512xi32>
      %select_n3A_146 = arith.select %ne3A_144, %min3A_145, %select_n3A_134 : vector<32x512xi1>, vector<32x512xi32>
      %and3A_147 = arith.andi %and3A_135, %concatenate3A_141 : vector<32x512xi32>
      %slice3A_148 = vector.extract_strided_slice %select_n3A_146 {offsets = [0, 8], sizes = [32, 504], strides = [1, 1]} : vector<32x512xi32> to vector<32x504xi32>
      %slice3A_149 = vector.extract_strided_slice %select_n3A_146 {offsets = [0, 0], sizes = [32, 8], strides = [1, 1]} : vector<32x512xi32> to vector<32x8xi32>
      %concatenate3A_150 = tpu.concatenate %slice3A_148, %slice3A_149 in 1 : vector<32x504xi32>, vector<32x8xi32> -> vector<32x512xi32>
      %slice3A_151 = vector.extract_strided_slice %and3A_147 {offsets = [0, 8], sizes = [32, 504], strides = [1, 1]} : vector<32x512xi32> to vector<32x504xi32>
      %slice3A_152 = vector.extract_strided_slice %and3A_147 {offsets = [0, 0], sizes = [32, 8], strides = [1, 1]} : vector<32x512xi32> to vector<32x8xi32>
      %concatenate3A_153 = tpu.concatenate %slice3A_151, %slice3A_152 in 1 : vector<32x504xi32>, vector<32x8xi32> -> vector<32x512xi32>
      %ne3A_154 = arith.constant 0 : i32
      %ne3A_155 = vector.broadcast %ne3A_154 : i32 to vector<32x512xi32>
      %ne3A_156 = arith.cmpi ne, %and3A_147, %ne3A_155 : vector<32x512xi32>
      %min3A_157 = arith.minsi %select_n3A_146, %concatenate3A_150 : vector<32x512xi32>
      %select_n3A_158 = arith.select %ne3A_156, %min3A_157, %select_n3A_146 : vector<32x512xi1>, vector<32x512xi32>
      %and3A_159 = arith.andi %and3A_147, %concatenate3A_153 : vector<32x512xi32>
      %slice3A_160 = vector.extract_strided_slice %select_n3A_158 {offsets = [0, 16], sizes = [32, 496], strides = [1, 1]} : vector<32x512xi32> to vector<32x496xi32>
      %slice3A_161 = vector.extract_strided_slice %select_n3A_158 {offsets = [0, 0], sizes = [32, 16], strides = [1, 1]} : vector<32x512xi32> to vector<32x16xi32>
      %concatenate3A_162 = tpu.concatenate %slice3A_160, %slice3A_161 in 1 : vector<32x496xi32>, vector<32x16xi32> -> vector<32x512xi32>
      %slice3A_163 = vector.extract_strided_slice %and3A_159 {offsets = [0, 16], sizes = [32, 496], strides = [1, 1]} : vector<32x512xi32> to vector<32x496xi32>
      %slice3A_164 = vector.extract_strided_slice %and3A_159 {offsets = [0, 0], sizes = [32, 16], strides = [1, 1]} : vector<32x512xi32> to vector<32x16xi32>
      %concatenate3A_165 = tpu.concatenate %slice3A_163, %slice3A_164 in 1 : vector<32x496xi32>, vector<32x16xi32> -> vector<32x512xi32>
      %ne3A_166 = arith.constant 0 : i32
      %ne3A_167 = vector.broadcast %ne3A_166 : i32 to vector<32x512xi32>
      %ne3A_168 = arith.cmpi ne, %and3A_159, %ne3A_167 : vector<32x512xi32>
      %min3A_169 = arith.minsi %select_n3A_158, %concatenate3A_162 : vector<32x512xi32>
      %select_n3A_170 = arith.select %ne3A_168, %min3A_169, %select_n3A_158 : vector<32x512xi1>, vector<32x512xi32>
      %and3A_171 = arith.andi %and3A_159, %concatenate3A_165 : vector<32x512xi32>
      %slice3A_172 = vector.extract_strided_slice %select_n3A_170 {offsets = [31, 0], sizes = [1, 512], strides = [1, 1]} : vector<32x512xi32> to vector<1x512xi32>
      %slice3A_173 = vector.extract_strided_slice %select_n3A_170 {offsets = [0, 0], sizes = [31, 512], strides = [1, 1]} : vector<32x512xi32> to vector<31x512xi32>
      %concatenate3A_174 = tpu.concatenate %slice3A_172, %slice3A_173 in 0 : vector<1x512xi32>, vector<31x512xi32> -> vector<32x512xi32>
      %slice3A_175 = vector.extract_strided_slice %and3A_36 {offsets = [31, 0], sizes = [1, 512], strides = [1, 1]} : vector<32x512xi32> to vector<1x512xi32>
      %slice3A_176 = vector.extract_strided_slice %and3A_36 {offsets = [0, 0], sizes = [31, 512], strides = [1, 1]} : vector<32x512xi32> to vector<31x512xi32>
      %concatenate3A_177 = tpu.concatenate %slice3A_175, %slice3A_176 in 0 : vector<1x512xi32>, vector<31x512xi32> -> vector<32x512xi32>
      %ne3A_178 = arith.constant 0 : i32
      %ne3A_179 = vector.broadcast %ne3A_178 : i32 to vector<32x512xi32>
      %ne3A_180 = arith.cmpi ne, %and3A_36, %ne3A_179 : vector<32x512xi32>
      %min3A_181 = arith.minsi %select_n3A_170, %concatenate3A_174 : vector<32x512xi32>
      %select_n3A_182 = arith.select %ne3A_180, %min3A_181, %select_n3A_170 : vector<32x512xi1>, vector<32x512xi32>
      %and3A_183 = arith.andi %and3A_36, %concatenate3A_177 : vector<32x512xi32>
      %slice3A_184 = vector.extract_strided_slice %select_n3A_182 {offsets = [30, 0], sizes = [2, 512], strides = [1, 1]} : vector<32x512xi32> to vector<2x512xi32>
      %slice3A_185 = vector.extract_strided_slice %select_n3A_182 {offsets = [0, 0], sizes = [30, 512], strides = [1, 1]} : vector<32x512xi32> to vector<30x512xi32>
      %concatenate3A_186 = tpu.concatenate %slice3A_184, %slice3A_185 in 0 : vector<2x512xi32>, vector<30x512xi32> -> vector<32x512xi32>
      %slice3A_187 = vector.extract_strided_slice %and3A_183 {offsets = [30, 0], sizes = [2, 512], strides = [1, 1]} : vector<32x512xi32> to vector<2x512xi32>
      %slice3A_188 = vector.extract_strided_slice %and3A_183 {offsets = [0, 0], sizes = [30, 512], strides = [1, 1]} : vector<32x512xi32> to vector<30x512xi32>
      %concatenate3A_189 = tpu.concatenate %slice3A_187, %slice3A_188 in 0 : vector<2x512xi32>, vector<30x512xi32> -> vector<32x512xi32>
      %ne3A_190 = arith.constant 0 : i32
      %ne3A_191 = vector.broadcast %ne3A_190 : i32 to vector<32x512xi32>
      %ne3A_192 = arith.cmpi ne, %and3A_183, %ne3A_191 : vector<32x512xi32>
      %min3A_193 = arith.minsi %select_n3A_182, %concatenate3A_186 : vector<32x512xi32>
      %select_n3A_194 = arith.select %ne3A_192, %min3A_193, %select_n3A_182 : vector<32x512xi1>, vector<32x512xi32>
      %and3A_195 = arith.andi %and3A_183, %concatenate3A_189 : vector<32x512xi32>
      %slice3A_196 = vector.extract_strided_slice %select_n3A_194 {offsets = [28, 0], sizes = [4, 512], strides = [1, 1]} : vector<32x512xi32> to vector<4x512xi32>
      %slice3A_197 = vector.extract_strided_slice %select_n3A_194 {offsets = [0, 0], sizes = [28, 512], strides = [1, 1]} : vector<32x512xi32> to vector<28x512xi32>
      %concatenate3A_198 = tpu.concatenate %slice3A_196, %slice3A_197 in 0 : vector<4x512xi32>, vector<28x512xi32> -> vector<32x512xi32>
      %slice3A_199 = vector.extract_strided_slice %and3A_195 {offsets = [28, 0], sizes = [4, 512], strides = [1, 1]} : vector<32x512xi32> to vector<4x512xi32>
      %slice3A_200 = vector.extract_strided_slice %and3A_195 {offsets = [0, 0], sizes = [28, 512], strides = [1, 1]} : vector<32x512xi32> to vector<28x512xi32>
      %concatenate3A_201 = tpu.concatenate %slice3A_199, %slice3A_200 in 0 : vector<4x512xi32>, vector<28x512xi32> -> vector<32x512xi32>
      %ne3A_202 = arith.constant 0 : i32
      %ne3A_203 = vector.broadcast %ne3A_202 : i32 to vector<32x512xi32>
      %ne3A_204 = arith.cmpi ne, %and3A_195, %ne3A_203 : vector<32x512xi32>
      %min3A_205 = arith.minsi %select_n3A_194, %concatenate3A_198 : vector<32x512xi32>
      %select_n3A_206 = arith.select %ne3A_204, %min3A_205, %select_n3A_194 : vector<32x512xi1>, vector<32x512xi32>
      %and3A_207 = arith.andi %and3A_195, %concatenate3A_201 : vector<32x512xi32>
      %slice3A_208 = vector.extract_strided_slice %select_n3A_206 {offsets = [24, 0], sizes = [8, 512], strides = [1, 1]} : vector<32x512xi32> to vector<8x512xi32>
      %slice3A_209 = vector.extract_strided_slice %select_n3A_206 {offsets = [0, 0], sizes = [24, 512], strides = [1, 1]} : vector<32x512xi32> to vector<24x512xi32>
      %concatenate3A_210 = tpu.concatenate %slice3A_208, %slice3A_209 in 0 : vector<8x512xi32>, vector<24x512xi32> -> vector<32x512xi32>
      %slice3A_211 = vector.extract_strided_slice %and3A_207 {offsets = [24, 0], sizes = [8, 512], strides = [1, 1]} : vector<32x512xi32> to vector<8x512xi32>
      %slice3A_212 = vector.extract_strided_slice %and3A_207 {offsets = [0, 0], sizes = [24, 512], strides = [1, 1]} : vector<32x512xi32> to vector<24x512xi32>
      %concatenate3A_213 = tpu.concatenate %slice3A_211, %slice3A_212 in 0 : vector<8x512xi32>, vector<24x512xi32> -> vector<32x512xi32>
      %ne3A_214 = arith.constant 0 : i32
      %ne3A_215 = vector.broadcast %ne3A_214 : i32 to vector<32x512xi32>
      %ne3A_216 = arith.cmpi ne, %and3A_207, %ne3A_215 : vector<32x512xi32>
      %min3A_217 = arith.minsi %select_n3A_206, %concatenate3A_210 : vector<32x512xi32>
      %select_n3A_218 = arith.select %ne3A_216, %min3A_217, %select_n3A_206 : vector<32x512xi1>, vector<32x512xi32>
      %and3A_219 = arith.andi %and3A_207, %concatenate3A_213 : vector<32x512xi32>
      %slice3A_220 = vector.extract_strided_slice %select_n3A_218 {offsets = [16, 0], sizes = [16, 512], strides = [1, 1]} : vector<32x512xi32> to vector<16x512xi32>
      %slice3A_221 = vector.extract_strided_slice %select_n3A_218 {offsets = [0, 0], sizes = [16, 512], strides = [1, 1]} : vector<32x512xi32> to vector<16x512xi32>
      %concatenate3A_222 = tpu.concatenate %slice3A_220, %slice3A_221 in 0 : vector<16x512xi32>, vector<16x512xi32> -> vector<32x512xi32>
      %slice3A_223 = vector.extract_strided_slice %and3A_219 {offsets = [16, 0], sizes = [16, 512], strides = [1, 1]} : vector<32x512xi32> to vector<16x512xi32>
      %slice3A_224 = vector.extract_strided_slice %and3A_219 {offsets = [0, 0], sizes = [16, 512], strides = [1, 1]} : vector<32x512xi32> to vector<16x512xi32>
      %concatenate3A_225 = tpu.concatenate %slice3A_223, %slice3A_224 in 0 : vector<16x512xi32>, vector<16x512xi32> -> vector<32x512xi32>
      %ne3A_226 = arith.constant 0 : i32
      %ne3A_227 = vector.broadcast %ne3A_226 : i32 to vector<32x512xi32>
      %ne3A_228 = arith.cmpi ne, %and3A_219, %ne3A_227 : vector<32x512xi32>
      %min3A_229 = arith.minsi %select_n3A_218, %concatenate3A_222 : vector<32x512xi32>
      %select_n3A_230 = arith.select %ne3A_228, %min3A_229, %select_n3A_218 : vector<32x512xi1>, vector<32x512xi32>
      %and3A_231 = arith.andi %and3A_219, %concatenate3A_225 : vector<32x512xi32>
      %slice3A_232 = vector.extract_strided_slice %select_n3A_230 {offsets = [1, 0], sizes = [31, 512], strides = [1, 1]} : vector<32x512xi32> to vector<31x512xi32>
      %slice3A_233 = vector.extract_strided_slice %select_n3A_230 {offsets = [0, 0], sizes = [1, 512], strides = [1, 1]} : vector<32x512xi32> to vector<1x512xi32>
      %concatenate3A_234 = tpu.concatenate %slice3A_232, %slice3A_233 in 0 : vector<31x512xi32>, vector<1x512xi32> -> vector<32x512xi32>
      %slice3A_235 = vector.extract_strided_slice %and3A_45 {offsets = [1, 0], sizes = [31, 512], strides = [1, 1]} : vector<32x512xi32> to vector<31x512xi32>
      %slice3A_236 = vector.extract_strided_slice %and3A_45 {offsets = [0, 0], sizes = [1, 512], strides = [1, 1]} : vector<32x512xi32> to vector<1x512xi32>
      %concatenate3A_237 = tpu.concatenate %slice3A_235, %slice3A_236 in 0 : vector<31x512xi32>, vector<1x512xi32> -> vector<32x512xi32>
      %ne3A_238 = arith.constant 0 : i32
      %ne3A_239 = vector.broadcast %ne3A_238 : i32 to vector<32x512xi32>
      %ne3A_240 = arith.cmpi ne, %and3A_45, %ne3A_239 : vector<32x512xi32>
      %min3A_241 = arith.minsi %select_n3A_230, %concatenate3A_234 : vector<32x512xi32>
      %select_n3A_242 = arith.select %ne3A_240, %min3A_241, %select_n3A_230 : vector<32x512xi1>, vector<32x512xi32>
      %and3A_243 = arith.andi %and3A_45, %concatenate3A_237 : vector<32x512xi32>
      %slice3A_244 = vector.extract_strided_slice %select_n3A_242 {offsets = [2, 0], sizes = [30, 512], strides = [1, 1]} : vector<32x512xi32> to vector<30x512xi32>
      %slice3A_245 = vector.extract_strided_slice %select_n3A_242 {offsets = [0, 0], sizes = [2, 512], strides = [1, 1]} : vector<32x512xi32> to vector<2x512xi32>
      %concatenate3A_246 = tpu.concatenate %slice3A_244, %slice3A_245 in 0 : vector<30x512xi32>, vector<2x512xi32> -> vector<32x512xi32>
      %slice3A_247 = vector.extract_strided_slice %and3A_243 {offsets = [2, 0], sizes = [30, 512], strides = [1, 1]} : vector<32x512xi32> to vector<30x512xi32>
      %slice3A_248 = vector.extract_strided_slice %and3A_243 {offsets = [0, 0], sizes = [2, 512], strides = [1, 1]} : vector<32x512xi32> to vector<2x512xi32>
      %concatenate3A_249 = tpu.concatenate %slice3A_247, %slice3A_248 in 0 : vector<30x512xi32>, vector<2x512xi32> -> vector<32x512xi32>
      %ne3A_250 = arith.constant 0 : i32
      %ne3A_251 = vector.broadcast %ne3A_250 : i32 to vector<32x512xi32>
      %ne3A_252 = arith.cmpi ne, %and3A_243, %ne3A_251 : vector<32x512xi32>
      %min3A_253 = arith.minsi %select_n3A_242, %concatenate3A_246 : vector<32x512xi32>
      %select_n3A_254 = arith.select %ne3A_252, %min3A_253, %select_n3A_242 : vector<32x512xi1>, vector<32x512xi32>
      %and3A_255 = arith.andi %and3A_243, %concatenate3A_249 : vector<32x512xi32>
      %slice3A_256 = vector.extract_strided_slice %select_n3A_254 {offsets = [4, 0], sizes = [28, 512], strides = [1, 1]} : vector<32x512xi32> to vector<28x512xi32>
      %slice3A_257 = vector.extract_strided_slice %select_n3A_254 {offsets = [0, 0], sizes = [4, 512], strides = [1, 1]} : vector<32x512xi32> to vector<4x512xi32>
      %concatenate3A_258 = tpu.concatenate %slice3A_256, %slice3A_257 in 0 : vector<28x512xi32>, vector<4x512xi32> -> vector<32x512xi32>
      %slice3A_259 = vector.extract_strided_slice %and3A_255 {offsets = [4, 0], sizes = [28, 512], strides = [1, 1]} : vector<32x512xi32> to vector<28x512xi32>
      %slice3A_260 = vector.extract_strided_slice %and3A_255 {offsets = [0, 0], sizes = [4, 512], strides = [1, 1]} : vector<32x512xi32> to vector<4x512xi32>
      %concatenate3A_261 = tpu.concatenate %slice3A_259, %slice3A_260 in 0 : vector<28x512xi32>, vector<4x512xi32> -> vector<32x512xi32>
      %ne3A_262 = arith.constant 0 : i32
      %ne3A_263 = vector.broadcast %ne3A_262 : i32 to vector<32x512xi32>
      %ne3A_264 = arith.cmpi ne, %and3A_255, %ne3A_263 : vector<32x512xi32>
      %min3A_265 = arith.minsi %select_n3A_254, %concatenate3A_258 : vector<32x512xi32>
      %select_n3A_266 = arith.select %ne3A_264, %min3A_265, %select_n3A_254 : vector<32x512xi1>, vector<32x512xi32>
      %and3A_267 = arith.andi %and3A_255, %concatenate3A_261 : vector<32x512xi32>
      %slice3A_268 = vector.extract_strided_slice %select_n3A_266 {offsets = [8, 0], sizes = [24, 512], strides = [1, 1]} : vector<32x512xi32> to vector<24x512xi32>
      %slice3A_269 = vector.extract_strided_slice %select_n3A_266 {offsets = [0, 0], sizes = [8, 512], strides = [1, 1]} : vector<32x512xi32> to vector<8x512xi32>
      %concatenate3A_270 = tpu.concatenate %slice3A_268, %slice3A_269 in 0 : vector<24x512xi32>, vector<8x512xi32> -> vector<32x512xi32>
      %slice3A_271 = vector.extract_strided_slice %and3A_267 {offsets = [8, 0], sizes = [24, 512], strides = [1, 1]} : vector<32x512xi32> to vector<24x512xi32>
      %slice3A_272 = vector.extract_strided_slice %and3A_267 {offsets = [0, 0], sizes = [8, 512], strides = [1, 1]} : vector<32x512xi32> to vector<8x512xi32>
      %concatenate3A_273 = tpu.concatenate %slice3A_271, %slice3A_272 in 0 : vector<24x512xi32>, vector<8x512xi32> -> vector<32x512xi32>
      %ne3A_274 = arith.constant 0 : i32
      %ne3A_275 = vector.broadcast %ne3A_274 : i32 to vector<32x512xi32>
      %ne3A_276 = arith.cmpi ne, %and3A_267, %ne3A_275 : vector<32x512xi32>
      %min3A_277 = arith.minsi %select_n3A_266, %concatenate3A_270 : vector<32x512xi32>
      %select_n3A_278 = arith.select %ne3A_276, %min3A_277, %select_n3A_266 : vector<32x512xi1>, vector<32x512xi32>
      %and3A_279 = arith.andi %and3A_267, %concatenate3A_273 : vector<32x512xi32>
      %slice3A_280 = vector.extract_strided_slice %select_n3A_278 {offsets = [16, 0], sizes = [16, 512], strides = [1, 1]} : vector<32x512xi32> to vector<16x512xi32>
      %slice3A_281 = vector.extract_strided_slice %select_n3A_278 {offsets = [0, 0], sizes = [16, 512], strides = [1, 1]} : vector<32x512xi32> to vector<16x512xi32>
      %concatenate3A_282 = tpu.concatenate %slice3A_280, %slice3A_281 in 0 : vector<16x512xi32>, vector<16x512xi32> -> vector<32x512xi32>
      %slice3A_283 = vector.extract_strided_slice %and3A_279 {offsets = [16, 0], sizes = [16, 512], strides = [1, 1]} : vector<32x512xi32> to vector<16x512xi32>
      %slice3A_284 = vector.extract_strided_slice %and3A_279 {offsets = [0, 0], sizes = [16, 512], strides = [1, 1]} : vector<32x512xi32> to vector<16x512xi32>
      %concatenate3A_285 = tpu.concatenate %slice3A_283, %slice3A_284 in 0 : vector<16x512xi32>, vector<16x512xi32> -> vector<32x512xi32>
      %ne3A_286 = arith.constant 0 : i32
      %ne3A_287 = vector.broadcast %ne3A_286 : i32 to vector<32x512xi32>
      %ne3A_288 = arith.cmpi ne, %and3A_279, %ne3A_287 : vector<32x512xi32>
      %min3A_289 = arith.minsi %select_n3A_278, %concatenate3A_282 : vector<32x512xi32>
      %select_n3A_290 = arith.select %ne3A_288, %min3A_289, %select_n3A_278 : vector<32x512xi1>, vector<32x512xi32>
      %and3A_291 = arith.andi %and3A_279, %concatenate3A_285 : vector<32x512xi32>
      %add3A_292 = arith.constant 1 : i32
      %add3A_293 = arith.addi %while3A_50, %add3A_292 : i32
      %ne3A_294 = arith.cmpi ne, %select_n3A_290, %while3A_52 : vector<32x512xi32>
      %reduce_or3A = arith.constant 1.000000e+00 : f32
      %reduce_or3A_295 = arith.constant 0.000000e+00 : f32
      %reduce_or3A_296 = vector.broadcast %reduce_or3A : f32 to vector<32x512xf32>
      %reduce_or3A_297 = vector.broadcast %reduce_or3A_295 : f32 to vector<32x512xf32>
      %reduce_or3A_298 = arith.select %ne3A_294, %reduce_or3A_296, %reduce_or3A_297 : vector<32x512xi1>, vector<32x512xf32>
      %reduce_or3A_299 = vector.shape_cast %reduce_or3A_298 : vector<32x512xf32> to vector<1x32x512xf32>
      %reduce_or3A_300 = arith.constant dense<0xFF800000> : vector<1xf32>
      %reduce_or3A_301 = vector.multi_reduction <maximumf>, %reduce_or3A_299, %reduce_or3A_300 [1, 2] : vector<1x32x512xf32> to vector<1xf32>
      %reduce_or3A_302 = vector.shape_cast %reduce_or3A_301 : vector<1xf32> to vector<1x1x1xf32>
      %reduce_or3A_303 = vector.extract %reduce_or3A_302[0, 0, 0] : f32 from vector<1x1x1xf32>
      %reduce_or3A_304 = arith.constant 0.000000e+00 : f32
      %reduce_or3A_305 = arith.cmpf ogt, %reduce_or3A_303, %reduce_or3A_304 : f32
      scf.yield %add3A_293, %reduce_or3A_305, %select_n3A_290 : i32, i1, vector<32x512xi32>
    }
    %swap3A = arith.constant 0 : index
    %swap3A_48 = arith.constant 0 : index
    %swap3A_49 = vector.load %arg2[%swap3A, %swap3A_48] : memref<32x512xi32, #tpu.memory_space<vmem>>, vector<32x512xi32>
    tpu.vector_store %arg2[%swap3A, %swap3A_48], %while3A_47#2 {strides = array<i32>} : memref<32x512xi32, #tpu.memory_space<vmem>>, vector<32x512xi32>,
    return
  }
  func.func @transform_0(%arg0: i32) -> (i32, i32) {
    %c0_i32 = arith.constant 0 : i32
    %c0_i32_0 = arith.constant 0 : i32
    return %c0_i32, %arg0 : i32, i32
  }
  func.func @transform_1(%arg0: i32) -> (i32, i32) {
    %c0_i32 = arith.constant 0 : i32
    %c0_i32_0 = arith.constant 0 : i32
    return %c0_i32, %arg0 : i32, i32
  }
}

</mosaic_0001>

<sc_bundles>
// kernel: kernel.4.cloned.1.call-start
scs
__scs_entry_jumppad:
0x0: {  	(pc) =	sbr.rel $0x88, $3  }
0x1: {  	(tag) =	ssettag $0x0;
	lr =	simm.s32 $0x1  }
0x2: {  	[smem:$0x3FA0] =	sst lr;
	_ =	strace $0xD0000000  }
0x3: {  	_ = 	snop  }
0x4: {  	_ = 	snop  }
0x5: {  	_ = 	snop  }
0x6: {  	_ = 	snop  }
0x7: {  	_ = 	snop  }
__scs_overlays_trampoline_lowered:
0x8: {  	[smem:$0x3FAF] =	sst s0  }
0x9: {  	[smem:$0x3FB0] =	sst s1  }
0xa: {  	[smem:$0x3FB1] =	sst s2  }
0xb: {  	[smem:$0x3FB2] =	sst s3  }
0xc: {  	[smem:$0x3FB3] =	sst s4  }
0xd: {  	[smem:$0x3FB4] =	sst s5  }
0xe: {  	[smem:$0x3FB5] =	sst s6  }
0xf: {  	[smem:$0x3FB6] =	sst s7  }
0x10: {  	[smem:$0x3FB7] =	sst s8  }
0x11: {  	[smem:$0x3FB8] =	sst s9;
	s0 =	simm.s32 @!p0 $0x0  }
0x12: {  	s1 =	sld [smem:$0x3F9E];
	s0 =	simm.s32 @p0 $0x1  }
0x13: {  	[smem:$0x3FB9] =	sst s0;
	s0 =	simm.s32 @!p1 $0x0  }
0x14: {  	s2 =	sld [smem:$0x3F9D];
	s0 =	simm.s32 @p1 $0x1  }
0x15: {  	[smem:$0x3FBA] =	sst s0;
	s0 =	simm.s32 @!p2 $0x0  }
0x16: {  	s3 =	sld [smem:$0x3FDB];
	s0 =	simm.s32 @p2 $0x1  }
0x17: {  	s4 =	simm.s32 $0x1BF5;
	[smem:$0x3FBC] =	sst s0  }
0x18: {  	s0 =	sld [smem:$0x3F9F];
	_ =	swait.ge [sflag:s4], $0x0  }
0x19: {  	s7 =	sld [smem:$0x3FA0]  }
0x1a: {  	s8 =	sadd.s32 $0xFFFFE003, lr  }
0x1b: {  	s9 =	sadd.s32 $0xFFFFFEF7, lr;
	s5 =	simm.s32 $0xFFFFFFFF;
	p2 =	slt.u32 s8, $0xFFFFF086  }
0x1c: {  	p1 =	slt.u32 s9, $0xF7A;
	s5 =	simm.s32 @!p2 $0x0  }
0x1d: {  	s5 =	simm.s32 @p1 $0x1;
	p0 =	seq.s32 s7, s2  }
0x1e: {  	s7 =	smul.u32 @!p0 $0xF7A, s2;
	p2 =	seq.s32 @!p0 s5, $0x0  }
0x1f: {  	s9 =	smul.u32 $0xF7A, s1;
	s8 =	simm.s32 @!p0 $0x1BF5;
	p2 =	por !p2, p0  }
0x20: {  	[sflag:s8] =	ssyncset.s32 @!p0 $0xFFFFF086;
	s6 =	sadd.s32 @!p0 s3, s7;
	s7 =	simm.s32 @!p0 $0x108  }
0x21: {  	s3 =	sadd.s32 s3, s9;
	s6 =	sadd.s32 @!p0 $0x88, s6;
	s7 =	simm.s32 @p2 $0x1082  }
0x22: {  	[simem:s7], [sflag:s8] =	dma.local @!p0 [hbm:s6], $0xF7A  }
0x23: {  	s9 =	sor.u32 $0xD0000000, s2;
	s6 =	simm.s32 $0x108;
	_ =	swait.ge @!p0 [sflag:s8], $0x0  }
0x24: {  	s3 =	sadd.s32 $0x88, s3;
	s6 =	simm.s32 @!p1 $0x1082;
	[sflag:s4] =	ssyncset.s32 $0xFFFFF086  }
0x25: {  	[simem:s6], [sflag:s4] =	dma.local [hbm:s3], $0xF7A  }
0x26: {  	[smem:$0x3FA0] =	sst s1;
	(tag) =	ssettag s2;
	_ =	strace s9  }
0x27: {  	s1 =	sld [smem:$0x3FB0]  }
0x28: {  	s2 =	sld [smem:$0x3FB1]  }
0x29: {  	s4 =	sld [smem:$0x3FB3]  }
0x2a: {  	p0 =	seq.s32 s5, $0x0;
	s5 =	sld [smem:$0x3FB4]  }
0x2b: {  	s6 =	sld [smem:$0x3FB5]  }
0x2c: {  	s7 =	sld [smem:$0x3FB6]  }
0x2d: {  	s3 =	simm.s32 $0x108;
	s8 =	sld [smem:$0x3FB7]  }
0x2e: {  	s3 =	simm.s32 @!p0 $0x1082;
	s9 =	sld [smem:$0x3FB8]  }
0x2f: {  	lr =	sadd.s32 s0, s3;
	s0 =	sld [smem:$0x3FAF]  }
0x30: {  	s3 =	sld [smem:$0x3FB2]  }
0x31: {  	[smem:$0x3FBB] =	sst s10  }
0x32: {  	s10 =	sld [smem:$0x3FB9];
	_ =	sdelay $0x3  }
0x33: {  	p0 =	seq.s32 s10, $0x1;
	s10 =	sld [smem:$0x3FBB];
	_ =	sdelay $0x3  }
0x34: {  	[smem:$0x3FBB] =	sst s10  }
0x35: {  	s10 =	sld [smem:$0x3FBA];
	_ =	sdelay $0x3  }
0x36: {  	p1 =	seq.s32 s10, $0x1;
	s10 =	sld [smem:$0x3FBB];
	_ =	sdelay $0x3  }
0x37: {  	[smem:$0x3FBB] =	sst s10  }
0x38: {  	s10 =	sld [smem:$0x3FBC]  }
0x39: {  	_ = 	snop;
	(pc) =	sbr.ind lr, $3  }
0x3a: {  	_ = 	snop  }
0x3b: {  	_ = 	snop  }
0x3c: {  	p2 =	seq.s32 s10, $0x1;
	s10 =	sld [smem:$0x3FBB]  }
0x3d: {  	_ =	shalt  }
0x3e: {  	_ =	shalt  }
0x3f: {  	_ =	shalt  }
0x40: {  	_ =	shalt  }
0x41: {  	_ =	shalt  }
0x42: {  	_ =	shalt  }
0x43: {  	_ =	shalt  }
0x44: {  	_ =	shalt  }
0x45: {  	_ =	shalt  }
0x46: {  	_ =	shalt  }
0x47: {  	_ =	shalt  }
0x48: {  	_ =	shalt  }
0x49: {  	_ =	shalt  }
0x4a: {  	_ =	shalt  }
0x4b: {  	_ =	shalt  }
0x4c: {  	_ =	shalt  }
0x4d: {  	_ =	shalt  }
0x4e: {  	_ =	shalt  }
0x4f: {  	_ =	shalt  }
0x50: {  	_ =	shalt  }
0x51: {  	_ =	shalt  }
0x52: {  	_ =	shalt  }
0x53: {  	_ =	shalt  }
0x54: {  	_ =	shalt  }
0x55: {  	_ =	shalt  }
0x56: {  	_ =	shalt  }
0x57: {  	_ =	shalt  }
0x58: {  	_ =	shalt  }
0x59: {  	_ =	shalt  }
0x5a: {  	_ =	shalt  }
0x5b: {  	_ =	shalt  }
0x5c: {  	_ =	shalt  }
0x5d: {  	_ =	shalt  }
0x5e: {  	_ =	shalt  }
0x5f: {  	_ =	shalt  }
0x60: {  	_ =	shalt  }
0x61: {  	_ =	shalt  }
0x62: {  	_ =	shalt  }
0x63: {  	_ =	shalt  }
0x64: {  	_ =	shalt  }
0x65: {  	_ =	shalt  }
0x66: {  	_ =	shalt  }
0x67: {  	_ =	shalt  }
0x68: {  	_ =	shalt  }
0x69: {  	_ =	shalt  }
0x6a: {  	_ =	shalt  }
0x6b: {  	_ =	shalt  }
0x6c: {  	_ =	shalt  }
0x6d: {  	_ =	shalt  }
0x6e: {  	_ =	shalt  }
0x6f: {  	_ =	shalt  }
0x70: {  	_ =	shalt  }
0x71: {  	_ =	shalt  }
0x72: {  	_ =	shalt  }
0x73: {  	_ =	shalt  }
0x74: {  	_ =	shalt  }
0x75: {  	_ =	shalt  }
0x76: {  	_ =	shalt  }
0x77: {  	_ =	shalt  }
0x78: {  	_ =	shalt  }
0x79: {  	_ =	shalt  }
0x7a: {  	_ =	shalt  }
0x7b: {  	_ =	shalt  }
0x7c: {  	_ =	shalt  }
0x7d: {  	_ =	shalt  }
0x7e: {  	_ =	shalt  }
0x7f: {  	_ =	shalt  }
0x80: {  	_ =	shalt  }
0x81: {  	_ =	shalt  }
0x82: {  	_ =	shalt  }
0x83: {  	_ =	shalt  }
0x84: {  	_ =	shalt  }
0x85: {  	_ =	shalt  }
0x86: {  	_ =	shalt  }
0x87: {  	_ =	shalt  }
.Lfunc_end0:
.L_simem_size_0:
called_computation_lowered:
.L_overlay_start_0:
0x88: {  	s2 =	sld [smem:$0x3FD9]  }
0x89: {  	s3 =	sld [smem:$0x3FFE];
	_ =	sdelay $0x1  }
0x8a: {  	s1 =	srdreg.scid  }
0x8b: {  	s0 =	sand.u32 $0x1, s1  }
0x8c: {  	s16 =	sshll.u32 s0, $0xA;
	s2 =	sadd.s32 s3, s2  }
0x8d: {  	s2 =	sadd.s32 s2, s16  }
0x8e: {  	[smem:$0x3FC7] =	sst s2  }
0x8f: {  	_ = 	snop  }
0x90: {  	(tm) =	ssettm $0x1  }
0x91: {  	s17 =	sld [smem:$0x3FFB];
	_ =	sdelay $0x3  }
0x92: {  	_ =	strace s17  }
0x93: {  	s2 =	sld [smem:$0x3FFC];
	_ =	sdelay $0x3  }
0x94: {  	_ =	strace s2  }
0x95: {  	s2 =	sld [smem:$0x3FFD];
	_ =	sdelay $0x3  }
0x96: {  	_ =	strace s2  }
0x97: {  	_ =	strace $0x8FFFFFFF  }
0x98: {  	s18 =	sld [smem:$0x3FDB];
	_ =	sdelay $0x1  }
0x99: {  	s19 =	simm.s32 $_scs_section_size  }
0x9a: {  	s4 =	simm.s32 $_size__tile_overlayer_lowered;
	s5 =	simm.s32 $_tile_overlayer_lowered  }
0x9b: {  	s22 =	simm.s32 $0x1BFF;
	s21 =	sshll.u32 s5, $0x1;
	s2 =	sadd.s32 s19, s18  }
0x9c: {  	s6 =	simm.s32 $0x0;
	s20 =	sshll.u32 s4, $0x1;
	s4 =	sadd.s32 s21, s2  }
0x9d: {  	[timem:s6], [sflag:s22] =	dma.local [hbm:s4], s20  }
0x9e: {  	_ =	swait.ge [sflag:s22], s20  }
0x9f: {  	s3 =	ssub.s32 $0x0, s20;
	[sflag:s22] =	ssyncset.done $0x0  }
0xa0: {  	[sflag:s22] =	ssyncadd.s32 s3;
	_ =	sdelay $0x1  }
0xa1: {  	s23 =	simm.s32 $0x1B8B  }
0xa2: {  	_ =	swait.ge [sflag:s23], $0x1  }
0xa3: {  	[sflag:s23] =	ssyncset.done $0x0  }
0xa4: {  	s25 =	simm.s32 $0x1B8E;
	s24 =	sld [smem:$0x3FFE];
	[sflag:s23] =	ssyncadd.s32 $0xFFFFFFFF  }
0xa5: {  	s26 =	simm.s32 $execute0_lowered;
	[smem:$0x3FD2] =	sst s25  }
0xa6: {  	s4 =	sshll.u32 s26, $0x1;
	_ =	strace $0x80000046;
	[dreg:$0x1] =	wrdreg $0xFFFFFFFF  }
0xa7: {  	s28 =	simm.s32 $_size_execute0_lowered;
	s2 =	sadd.s32 s2, s4;
	[dreg:$0x0] =	wrdreg $0x0  }
0xa8: {  	s4 =	sshll.u32 s28, $0x1;
	[dreg:$0x2] =	wrdreg s2  }
0xa9: {  	[dreg:$0x3] =	wrdreg s4  }
0xaa: {  	[dreg:$0x4] =	wrdreg $0xC0  }
0xab: {  	_ =	task [dreg:s6], $0x5FFFF  }
0xac: {  	[dreg:$0x1] =	wrdreg $0xFFFFFFFF  }
0xad: {  	[dreg:$0x0] =	wrdreg $0x60  }
0xae: {  	[dreg:$0x2] =	wrdreg s24  }
0xaf: {  	[dreg:$0x3] =	wrdreg $0x9  }
0xb0: {  	_ =	task.clear_ibuf [dreg:s6], $0x4FFFF;
	_ =	strace $0x90000046  }
0xb1: {  	s29 =	simm.s32 $0x9;
	_ =	strace $0x80000048  }
0xb2: {  	_ =	swait.ge [sflag:s29], $0x1  }
0xb3: {  	[sflag:s29] =	ssyncadd.s32 $0xFFFFFFFF  }
0xb4: {  	_ =	strace $0x90000048  }
0xb5: {  	_ =	sfence  }
0xb6: {  	s30 =	sld [smem:$0x0];
	_ =	sdelay $0x2  }
0xb7: {  	s31 =	sshll.u32 s1, $0xD;
	s1 =	sshrl.u32 s1, $0x2  }
0xb8: {  	s3 =	sand.u32 $0x4000, s31;
	s1 =	sadd.s32 s1, s30  }
0xb9: {  	s0 =	sor.u32 s3, s0;
	s1 =	sshll.u32 s1, $0x11  }
0xba: {  	s0 =	sor.u32 s1, s0  }
0xbb: {  	s0 =	sadd.s32 $0x8F2B, s0  }
0xbc: {  	[sflag:s0] =	ssyncadd.remote.s32 $0x1  }
0xbd: {  	_ =	sfence.sel $0xFFFF  }
0xbe: {  	[dreg:$0x0] =	wrdreg $0xFFFFFFFF;
	(pc) =	sbr.abs _section_cstart, $3  }
0xbf: {  	[dreg:$0x1] =	wrdreg $0xFFFFFFFF  }
0xc0: {  	_ =	task.clear_ibuf [dreg:s6], $0x2FFFF;
	_ =	strace $0x9FFFFFFF  }
0xc1: {  	(tm) =	ssettm $0x7FFFFFFF  }
tec
execute0_lowered:
.L_overlay_start_1:
0x0: {  	(tag) =	ssettag $0x1  }
0x1: {  	s3 =	rddreg [dreg:$0x0]  }
0x2: {  	s0 =	rddreg [dreg:$0x1];
	s2 =	simm.s32 $0x0  }
0x3: {  	s4 =	srdreg.scid;
	s1 =	stileid.u32;
	s11 =	simm.s32 $0x8000  }
0x4: {  	s12 =	simm.s32 $0x8480;
	s13 =	simm.s32 $0x0;
	[smem:$0x7FF] =	sst s2  }
0x5: {  	s4 =	sand.u32 $0x1, s4;
	s5 =	sadd.s32 $0x200, s3;
	s7 =	sshll.u32 s1, $0x1  }
0x6: {  	s8 =	sadd.s32 $0x30200, s3;
	p0 =	sgt.u32 s1, $0x7;
	s6 =	ssub.s32 $0x2, s4  }
0x7: {  	_ =	strace $0x80000047;
	s4 =	sor.u32 s4, s7;
	s25 =	sshrl.u32 s6, $0x1  }
0x8: {  	s28 =	sshll.u32 s4, $0xA;
	s29 =	sshll.u32 s4, $0x4;
	s10 =	sor.u32 $0x20, s4  }
.Ltmp0:
0x9: {  	s26 =	ssub.s32 s6, s25;
	s3 =	sadd.s32 s5, s28;
	(pc) =	sbr.rel .LBB2_1-.Ltmp0, $4  }
0xa: {  	s9 =	sand.u32 $0x70, s29;
	s30 =	sshll.u32 s10, $0xA;
	s10 =	sshll.u32 s10, $0x4  }
0xb: {  	s4 =	sadd.s32 s8, s29;
	s5 =	sadd.s32 s5, s30;
	s31 =	sand.u32 $0x280, s10  }
0xc: {  	s8 =	sadd.s32 s8, s9;
	s7 =	smax.u32 s26, $0x1;
	s9 =	simm.s32 $0x60000  }
0xd: {  	v0 =	vimm.s32 $0x0;
	v1 =	vimm.s32 $0x1;
	s10 =	simm.s32 $0x1;
	s6 =	sadd.s32 s31, s8;
	s8 =	simm.s32 $0x2000  }
.LBB2_19:
0xe: {  	s13 =	sadd.s32 $0x1, s13  }
0xf: {  	p1 =	sne.s32 s13, s7  }
.Ltmp1:
0x10: {  	_ = 	snop;
	(pc) =	sbr.rel @!p1 .LBB2_20-.Ltmp1, $1  }
0x11: {  	_ =	sdelay $0x3  }
.LBB2_1:
0x12: {  	[tilespmem:s2], [sflag:$0x1] =	stream.strided.gather [hbm4b:s3+s8], $0x8000, s9, s8, $0x38;
	[tilespmem:$0x8500] =	vst v63  }
0x13: {  	_ =	swait.ge [sflag:s10], $0x8000  }
0x14: {  	[sflag:s10] =	ssyncset.done $0x0  }
0x15: {  	s14 =	simm.s32 $0x0;
	s15 =	simm.s32 $0x0;
	[sflag:s10] =	ssyncadd.s32 $0xFFFF8000  }
.LBB2_2:
0x16: {  	s16 =	simm.s32 $0x40;
	s17 =	simm.s32 $0x0  }
.LBB2_3:
0x17: {  	p1 =	seq.s32 s16, $0x1000;
	[tilespmem:s17+$0x8000] =	vst v0;
	s17 =	smov.u32 s16;
	s16 =	sadd.s32 $0x40, s16  }
.Ltmp2:
0x18: {  	(pc) =	sbr.rel @!p1 .LBB2_3-.Ltmp2, $2  }
0x19: {  	_ =	sdelay $0x2  }
0x1a: {  	s17 =	sshra.s32 s17, $0x2  }
0x1b: {  	s30 =	sshll.u32 s15, $0x8;
	s19 =	simm.s32 $0x0  }
0x1c: {  	s20 =	simm.s32 $0x0;
	s18 =	sand.u32 $0x1C00, s30;
	s19 =	sand.u32 $0x6000, s19  }
0x1d: {  	s16 =	sshll.u32 s15, $0x5;
	s20 =	sand.u32 $0x380, s20;
	s19 =	sor.u32 s19, s18  }
0x1e: {  	[tilespmem:s17+$0x8000] =	vst v0;
	s17 =	simm.s32 $0x0;
	s16 =	sand.u32 $0x60, s16;
	s19 =	sadd.s32 s20, s19  }
0x1f: {  	s31 =	sand.u32 $0x10, s17;
	s19 =	sadd.s32 s16, s19  }
0x20: {  	s20 =	sadd.s32 s31, s19  }
0x21: {  	v2 =	vld [tilespmem:s20+$0x0];
	_ =	sdelay $0x2  }
0x22: {  	s21 =	simm.s32 $0x200;
	s19 =	simm.s32 $0x1;
	s20 =	simm.s32 $0x2  }
.LBB2_5:
0x23: {  	p1 =	sne.s32 s20, $0x3F;
	s21 =	sand.u32 $0x6000, s21;
	s19 =	sshll.u32 s19, $0x6  }
0x24: {  	s22 =	sand.u32 $0x380, s19;
	s21 =	sor.u32 s21, s18;
	s19 =	smov.u32 s20  }
0x25: {  	s17 =	sadd.s32 $0x10, s17;
	s21 =	sadd.s32 s22, s21  }
0x26: {  	s22 =	sand.u32 $0x10, s17;
	s21 =	sadd.s32 s16, s21  }
.Ltmp3:
0x27: {  	s21 =	sadd.s32 s22, s21;
	[tilespmem:v2+s11+$0x0] =	vst.idx.add.s32.msk $0xffff, v1;
	(pc) =	sbr.rel @p1 .LBB2_5-.Ltmp3, $2  }
0x28: {  	v2 =	vld [tilespmem:s21+$0x0];
	_ =	sdelay $0x2  }
0x29: {  	s20 =	sadd.s32 $0x1, s20;
	s21 =	sshll.u32 s19, $0x9  }
0x2a: {  	_ = 	snop  }
0x2b: {  	s20 =	sand.u32 $0x6000, s21;
	s19 =	sshll.u32 s19, $0x6  }
0x2c: {  	s19 =	sand.u32 $0x380, s19;
	s18 =	sor.u32 s20, s18  }
0x2d: {  	s17 =	sadd.s32 $0x10, s17;
	s18 =	sadd.s32 s19, s18  }
0x2e: {  	s17 =	sand.u32 $0x10, s17;
	s16 =	sadd.s32 s16, s18  }
0x2f: {  	[tilespmem:v2+s11+$0x0] =	vst.idx.add.s32.msk $0xffff, v1;
	s16 =	sadd.s32 s17, s16  }
0x30: {  	v2 =	vld [tilespmem:s16+$0x0];
	_ =	sdelay $0x7  }
0x31: {  	s31 =	simm.s32 $0x0;
	[tilespmem:v2+s11+$0x0] =	vst.idx.add.s32.msk $0xffff, v1  }
0x32: {  	s16 =	simm.s32 $0x40;
	v2 =	vimm.s32 $0x0;
	v3 =	vld [tilespmem:s31+$0x8000]  }
.LBB2_7:
0x33: {  	p1 =	sne.s32 s16, $0x1000  }
.Ltmp4:
0x34: {  	_ = 	snop;
	(pc) =	sbr.rel @p1 .LBB2_7-.Ltmp4, $3  }
0x35: {  	_ =	sdelay $0x1  }
0x36: {  	s17 =	sshra.s32 s16, $0x2;
	s16 =	sadd.s32 $0x40, s16;
	vm0 =	vgt.s32 v2, v3  }
0x37: {  	v2 =	vsel vm0, v2, v3;
	v3 =	vld [tilespmem:s17+$0x8000]  }
0x38: {  	_ =	sdelay $0x3  }
0x39: {  	vm0 =	vgt.s32 v2, v3  }
0x3a: {  	v2 =	vsel vm0, v2, v3  }
0x3b: {  	v2 =	vxor.u32 $0x80000000, v2  }
0x3c: {  	(xrf0) =	vmax.scan.msk.u32 $0xffff, v2;
	_ =	sdelay $0x5  }
0x3d: {  	v2, _, _ =	vpop (xrf0)  }
0x3e: {  	(v2sf) =	vpush v2, $0xF;
	_ =	sdelay $0xa  }
0x3f: {  	s15 =	sadd.s32 $0x1, s15  }
0x40: {  	p1 =	sne.s32 s15, $0x20  }
.Ltmp5:
0x41: {  	_ = 	snop;
	(pc) =	sbr.rel @p1 .LBB2_2-.Ltmp5, $4  }
0x42: {  	_ = 	snop  }
0x43: {  	s16 =	spop (v2sf)  }
0x44: {  	s14 =	sadd.s32 s16, s14  }
0x45: {  	s14 =	sadd.s32 $0x80000000, s14  }
0x46: {  	s14 =	sshra.s32 s14, $0x5  }
0x47: {  	s14 =	scvt.s32.f32 s14;
	_ =	sdelay $0x1  }
0x48: {  	v2 =	vmov s14  }
.Ltmp6:
0x49: {  	[tilespmem:$0x8480] =	vst v2;
	(pc) =	sbr.rel @p0 .LBB2_19-.Ltmp6, $4  }
0x4a: {  	[hbm4b:s4+s2] =	stream.linear.scatter [tilespmem:s12], [sflag:$0x1], $0x80, $0x38;
	[tilespmem:$0x8500] =	vst v63  }
0x4b: {  	_ =	swait.ge [sflag:s10], $0x80  }
0x4c: {  	[sflag:s10] =	ssyncset.done $0x0  }
0x4d: {  	[sflag:s10] =	ssyncadd.s32 $0xFFFFFF80  }
0x4e: {  	s14 =	simm.s32 $0x0  }
0x4f: {  	[tilespmem:s14], [sflag:$0x1] =	stream.strided.gather [hbm4b:s5+s8], $0x8000, s9, s8, $0x38;
	[tilespmem:$0x8500] =	vst v63  }
0x50: {  	_ =	swait.ge [sflag:s10], $0x8000  }
0x51: {  	[sflag:s10] =	ssyncset.done $0x0  }
0x52: {  	s15 =	simm.s32 $0x0;
	[sflag:s10] =	ssyncadd.s32 $0xFFFF8000  }
.LBB2_11:
0x53: {  	s16 =	simm.s32 $0x40;
	s17 =	simm.s32 $0x0  }
.LBB2_12:
0x54: {  	p1 =	seq.s32 s16, $0x1000;
	[tilespmem:s17+$0x8000] =	vst v0;
	s17 =	smov.u32 s16;
	s16 =	sadd.s32 $0x40, s16  }
.Ltmp7:
0x55: {  	(pc) =	sbr.rel @!p1 .LBB2_12-.Ltmp7, $2  }
0x56: {  	_ =	sdelay $0x2  }
0x57: {  	s17 =	sshra.s32 s17, $0x2  }
0x58: {  	s30 =	sshll.u32 s15, $0x8;
	s19 =	simm.s32 $0x0  }
0x59: {  	s20 =	simm.s32 $0x0;
	s18 =	sand.u32 $0x1C00, s30;
	s19 =	sand.u32 $0x6000, s19  }
0x5a: {  	s16 =	sshll.u32 s15, $0x5;
	s20 =	sand.u32 $0x380, s20;
	s19 =	sor.u32 s19, s18  }
0x5b: {  	[tilespmem:s17+$0x8000] =	vst v0;
	s17 =	simm.s32 $0x0;
	s16 =	sand.u32 $0x60, s16;
	s19 =	sadd.s32 s20, s19  }
0x5c: {  	s31 =	sand.u32 $0x10, s17;
	s19 =	sadd.s32 s16, s19  }
0x5d: {  	s20 =	sadd.s32 s31, s19  }
0x5e: {  	v2 =	vld [tilespmem:s20+$0x0];
	_ =	sdelay $0x2  }
0x5f: {  	s21 =	simm.s32 $0x200;
	s19 =	simm.s32 $0x1;
	s20 =	simm.s32 $0x2  }
.LBB2_14:
0x60: {  	p1 =	sne.s32 s20, $0x3F;
	s21 =	sand.u32 $0x6000, s21;
	s19 =	sshll.u32 s19, $0x6  }
0x61: {  	s22 =	sand.u32 $0x380, s19;
	s21 =	sor.u32 s21, s18;
	s19 =	smov.u32 s20  }
0x62: {  	s17 =	sadd.s32 $0x10, s17;
	s21 =	sadd.s32 s22, s21  }
0x63: {  	s22 =	sand.u32 $0x10, s17;
	s21 =	sadd.s32 s16, s21  }
.Ltmp8:
0x64: {  	s21 =	sadd.s32 s22, s21;
	[tilespmem:v2+s11+$0x0] =	vst.idx.add.s32.msk $0xffff, v1;
	(pc) =	sbr.rel @p1 .LBB2_14-.Ltmp8, $2  }
0x65: {  	v2 =	vld [tilespmem:s21+$0x0];
	_ =	sdelay $0x2  }
0x66: {  	s20 =	sadd.s32 $0x1, s20;
	s21 =	sshll.u32 s19, $0x9  }
0x67: {  	_ = 	snop  }
0x68: {  	s20 =	sand.u32 $0x6000, s21;
	s19 =	sshll.u32 s19, $0x6  }
0x69: {  	s19 =	sand.u32 $0x380, s19;
	s18 =	sor.u32 s20, s18  }
0x6a: {  	s17 =	sadd.s32 $0x10, s17;
	s18 =	sadd.s32 s19, s18  }
0x6b: {  	s17 =	sand.u32 $0x10, s17;
	s16 =	sadd.s32 s16, s18  }
0x6c: {  	[tilespmem:v2+s11+$0x0] =	vst.idx.add.s32.msk $0xffff, v1;
	s16 =	sadd.s32 s17, s16  }
0x6d: {  	v2 =	vld [tilespmem:s16+$0x0];
	_ =	sdelay $0x7  }
0x6e: {  	s31 =	simm.s32 $0x0;
	[tilespmem:v2+s11+$0x0] =	vst.idx.add.s32.msk $0xffff, v1  }
0x6f: {  	s16 =	simm.s32 $0x40;
	v2 =	vimm.s32 $0x0;
	v3 =	vld [tilespmem:s31+$0x8000]  }
.LBB2_16:
0x70: {  	p1 =	sne.s32 s16, $0x1000  }
.Ltmp9:
0x71: {  	_ = 	snop;
	(pc) =	sbr.rel @p1 .LBB2_16-.Ltmp9, $3  }
0x72: {  	_ =	sdelay $0x1  }
0x73: {  	s17 =	sshra.s32 s16, $0x2;
	s16 =	sadd.s32 $0x40, s16;
	vm0 =	vgt.s32 v2, v3  }
0x74: {  	v2 =	vsel vm0, v2, v3;
	v3 =	vld [tilespmem:s17+$0x8000]  }
0x75: {  	_ =	sdelay $0x3  }
0x76: {  	vm0 =	vgt.s32 v2, v3  }
0x77: {  	v2 =	vsel vm0, v2, v3  }
0x78: {  	v2 =	vxor.u32 $0x80000000, v2  }
0x79: {  	(xrf0) =	vmax.scan.msk.u32 $0xffff, v2;
	_ =	sdelay $0x5  }
0x7a: {  	v2, _, _ =	vpop (xrf0)  }
0x7b: {  	(v2sf) =	vpush v2, $0xF;
	_ =	sdelay $0xa  }
0x7c: {  	s15 =	sadd.s32 $0x1, s15  }
0x7d: {  	p1 =	sne.s32 s15, $0x20  }
.Ltmp10:
0x7e: {  	_ = 	snop;
	(pc) =	sbr.rel @p1 .LBB2_11-.Ltmp10, $4  }
0x7f: {  	_ = 	snop  }
0x80: {  	s16 =	spop (v2sf)  }
0x81: {  	s14 =	sadd.s32 s16, s14  }
0x82: {  	s14 =	sadd.s32 $0x80000000, s14  }
0x83: {  	s14 =	sshra.s32 s14, $0x5  }
0x84: {  	s14 =	scvt.s32.f32 s14;
	_ =	sdelay $0x1  }
0x85: {  	v2 =	vmov s14  }
.Ltmp11:
0x86: {  	[tilespmem:$0x8480] =	vst v2;
	(pc) =	sbr.rel .LBB2_19-.Ltmp11, $4  }
0x87: {  	[hbm4b:s6+s2] =	stream.linear.scatter [tilespmem:s12], [sflag:$0x1], $0x80, $0x38;
	[tilespmem:$0x8500] =	vst v63  }
0x88: {  	_ =	swait.ge [sflag:s10], $0x80  }
0x89: {  	[sflag:s10] =	ssyncset.done $0x0  }
0x8a: {  	[sflag:s10] =	ssyncadd.s32 $0xFFFFFF80  }
.LBB2_20:
0x8b: {  	_ =	sfence.sel $0x180000  }
0x8c: {  	[bflag:$0x0] =	sbarrier.arrive $0xFFFF  }
0x8d: {  	p0 =	sne.s32 s1, $0x0;
	_ =	strace $0x90000047  }
0x8e: {  	s0 =	sadd.s32 @!p0 $0x100000, s0;
	[bflag:$0x2] =	sbarrier.arrive $0xFFFF  }
0x8f: {  	[sflag:s0] =	ssyncadd.tile.s32 @!p0 $0x1;
	_ =	shalt  }
.Lfunc_end2:
_tile_overlayer_lowered:
.L_overlay_start_2:
0x90: {  	(tag) =	ssettag $0x2  }
0x91: {  	s0 =	rddreg [dreg:$0x0];
	s2 =	stileid.u32  }
0x92: {  	s1 =	rddreg [dreg:$0x1];
	p0 =	sne.s32 s2, $0x0  }
0x93: {  	s3 =	rddreg [dreg:$0x2];
	[bflag:$0x3] =	sbarrier.arrive $0xFFFF;
	s2 =	simm.s32 @!p0 $0x1C01  }
0x94: {  	[timem:s3], [sflag:s2] =	dma.local @!p0 [hbm:s0], s1  }
0x95: {  	s0 =	simm.s32 @!p0 $0x1  }
0x96: {  	_ =	swait.ge @!p0 [sflag:s0], s1  }
0x97: {  	s1 =	ssub.s32 @!p0 $0x0, s1;
	[sflag:s0] =	ssyncset.done @!p0 $0x0  }
0x98: {  	[sflag:s0] =	ssyncadd.s32 @!p0 s1  }
0x99: {  	[bflag:$0x3] =	sbarrier.arrive $0xFFFF  }
0x9a: {  	_ =	shalt  }

</sc_bundles>
